<compile_context>
chip_gen: v7x
topology: tpu7x:2x2x1
jax: 0.10.2.dev20260603
libtpu: 0.0.44.dev20260713+nightly
codegen_flags: <defaults>
</compile_context>

<pallas_src>
import functools

import jax
import jax.numpy as jnp
from jax import lax
from jax.experimental import pallas as pl
from jax.experimental.pallas import tpu as pltpu
from jax.experimental.pallas import tpu_sc as plsc

N = 10000
NP = 10240
E = 320000
D = 128

NC = 2
NS = 16
NW = NC * NS
EPW = E // NW
BATCH = 128
NBATCH = EPW // BATCH
TAIL = EPW - NBATCH * BATCH
DEG_PW = NP // NS
ROWS_PW = NP // NS

NBUF = 2
IBUF = 4
ROW_BLK = 1024
GRID = NP // ROW_BLK


@functools.cache
def _get_deg_sc():
    mesh = plsc.VectorSubcoreMesh(core_axis_name="c", subcore_axis_name="s")
    return pl.kernel(
        _deg_sc_body,
        mesh=mesh,
        out_type=jax.ShapeDtypeStruct((NC, NP), jnp.float32),
        scratch_types=[
            pltpu.VMEM_SHARED((NP,), jnp.float32),
            pltpu.VMEM((NBATCH, BATCH), jnp.int32),
            pltpu.VMEM((TAIL,), jnp.int32),
            pltpu.VMEM((BATCH,), jnp.float32),
        ],
    )


def _deg_sc_body(dst_hbm, dstt_hbm, ones_hbm, out_hbm, deg_sp, dst_v, dstt_v,
                 ones_v):
    c = lax.axis_index("c")
    s = lax.axis_index("s")
    wid = s * NC + c
    pltpu.sync_copy(ones_hbm.at[pl.ds(s * DEG_PW, DEG_PW)],
                    deg_sp.at[pl.ds(s * DEG_PW, DEG_PW)])
    pltpu.sync_copy(ones_hbm.at[pl.ds(0, BATCH)], ones_v)
    pltpu.sync_copy(dst_hbm.at[wid], dst_v)
    pltpu.sync_copy(dstt_hbm.at[wid], dstt_v)
    plsc.subcore_barrier()

    def body(j, carry):
        pltpu.sync_copy(ones_v, deg_sp.at[dst_v.at[j]], add=True)
        return carry

    lax.fori_loop(0, NBATCH, body, 0)
    pltpu.sync_copy(ones_v.at[pl.ds(0, TAIL)], deg_sp.at[dstt_v], add=True)
    plsc.subcore_barrier()
    pltpu.sync_copy(deg_sp.at[pl.ds(s * DEG_PW, DEG_PW)],
                    out_hbm.at[c, pl.ds(s * DEG_PW, DEG_PW)])


@functools.cache
def _get_agg_sc():
    mesh = plsc.VectorSubcoreMesh(core_axis_name="c", subcore_axis_name="s")
    return pl.kernel(
        _agg_sc_body,
        mesh=mesh,
        out_type=jax.ShapeDtypeStruct((NC, NP, D), jnp.float32),
        scratch_types=[
            pltpu.VMEM_SHARED((NP, D), jnp.float32),
            pltpu.VMEM((IBUF * BATCH,), jnp.int32),
            pltpu.VMEM((TAIL,), jnp.int32),
            pltpu.VMEM((NBATCH, BATCH), jnp.int32),
            pltpu.VMEM((TAIL,), jnp.int32),
            pltpu.VMEM((NBUF, BATCH, D), jnp.float32),
            pltpu.VMEM((TAIL, D), jnp.float32),
            pltpu.SemaphoreType.DMA((NBUF,)),
            pltpu.SemaphoreType.DMA((IBUF,)),
        ],
    )


def _agg_sc_body(h_hbm, src_hbm, srct_hbm, dst_hbm, dstt_hbm, out_hbm, acc_sp,
                 src_v, srct_v, dst_v, dstt_v, rows_v, rowst_v, gsem, isem):
    c = lax.axis_index("c")
    s = lax.axis_index("s")
    wid = s * NC + c
    pltpu.sync_copy(h_hbm.at[pl.ds(s * ROWS_PW, ROWS_PW)],
                    acc_sp.at[pl.ds(s * ROWS_PW, ROWS_PW)])
    pltpu.sync_copy(dst_hbm.at[wid], dst_v)
    pltpu.sync_copy(dstt_hbm.at[wid], dstt_v)
    pltpu.sync_copy(srct_hbm.at[wid], srct_v)

    def idx_start(k, p):
        pltpu.async_copy(src_hbm.at[pl.ds(wid * EPW + k * BATCH, BATCH)],
                         src_v.at[pl.ds(p * BATCH, BATCH)], isem.at[p])

    def idx_wait(p):
        pltpu.make_async_copy(src_hbm.at[pl.ds(0, BATCH)],
                              src_v.at[pl.ds(p * BATCH, BATCH)],
                              isem.at[p]).wait()

    def gather_start(p, ip):
        pltpu.async_copy(h_hbm.at[src_v.at[pl.ds(ip * BATCH, BATCH)]],
                         rows_v.at[p], gsem.at[p])

    def gather_wait(p):
        pltpu.make_async_copy(h_hbm.at[pl.ds(0, BATCH)],
                              rows_v.at[p], gsem.at[p]).wait()

    for p in range(min(IBUF, NBATCH)):
        idx_start(p, p)
    plsc.subcore_barrier()
    for p in range(NBUF):
        idx_wait(p)
        gather_start(p, p)

    def body(j, carry):
        p = lax.rem(j, NBUF)
        gather_wait(p)
        pltpu.sync_copy(rows_v.at[p], acc_sp.at[dst_v.at[j]], add=True)

        @pl.when(j + NBUF < NBATCH)
        def _():
            ip = lax.rem(j + NBUF, IBUF)
            idx_wait(ip)
            gather_start(p, ip)

        @pl.when(j + IBUF < NBATCH)
        def _():
            idx_start(j + IBUF, lax.rem(j, IBUF))

        return carry

    lax.fori_loop(0, NBATCH, body, 0)
    pltpu.async_copy(h_hbm.at[srct_v], rowst_v, gsem.at[0]).wait()
    pltpu.sync_copy(rowst_v, acc_sp.at[dstt_v], add=True)
    plsc.subcore_barrier()
    pltpu.sync_copy(acc_sp.at[pl.ds(s * ROWS_PW, ROWS_PW)],
                    out_hbm.at[c, pl.ds(s * ROWS_PW, ROWS_PW)])



def _dis(d0_ref, d1_ref):
    deg = d0_ref[0, 0, 0, :] + d1_ref[0, 0, 0, :] - 1.0
    return lax.rsqrt(deg)


def _lin1_body(x_ref, d0_ref, d1_ref, w_ref, h_ref):
    dis = _dis(d0_ref, d1_ref)
    h = jnp.dot(x_ref[...], w_ref[...], preferred_element_type=jnp.float32)
    h_ref[...] = h * dis[:, None]


def _lin2_body(a0_ref, a1_ref, h2_ref, d0_ref, d1_ref, b_ref, w_ref, out_ref):
    dis = _dis(d0_ref, d1_ref)
    tot = a0_ref[0] + a1_ref[0] - h2_ref[...]
    u = jnp.maximum(tot * dis[:, None] + b_ref[0, 0, :][None, :], 0.0)
    h = jnp.dot(u, w_ref[...], preferred_element_type=jnp.float32)
    out_ref[...] = h * dis[:, None]


def _out_body(a0_ref, a1_ref, h3_ref, d0_ref, d1_ref, b_ref, out_ref):
    dis = _dis(d0_ref, d1_ref)
    tot = a0_ref[0] + a1_ref[0] - h3_ref[...]
    out_ref[...] = tot * dis[:, None] + b_ref[0, 0, :][None, :]


_row_spec = pl.BlockSpec((ROW_BLK, D), lambda i: (i, 0))
_acc0_spec = pl.BlockSpec((1, ROW_BLK, D), lambda i: (0, i, 0))
_acc1_spec = pl.BlockSpec((1, ROW_BLK, D), lambda i: (1, i, 0))
_d0_spec = pl.BlockSpec((1, 1, 1, ROW_BLK), lambda i: (0, i, 0, 0))
_d1_spec = pl.BlockSpec((1, 1, 1, ROW_BLK), lambda i: (1, i, 0, 0))
_w_spec = pl.BlockSpec((D, D), lambda i: (0, 0))
_b_spec = pl.BlockSpec((1, 1, D), lambda i: (0, 0, 0))

_lin1 = pl.pallas_call(
    _lin1_body,
    grid=(GRID,),
    in_specs=[_row_spec, _d0_spec, _d1_spec, _w_spec],
    out_specs=_row_spec,
    out_shape=jax.ShapeDtypeStruct((NP, D), jnp.float32),
)

_lin2 = pl.pallas_call(
    _lin2_body,
    grid=(GRID,),
    in_specs=[_acc0_spec, _acc1_spec, _row_spec, _d0_spec, _d1_spec, _b_spec, _w_spec],
    out_specs=_row_spec,
    out_shape=jax.ShapeDtypeStruct((NP, D), jnp.float32),
)

_outk = pl.pallas_call(
    _out_body,
    grid=(GRID,),
    in_specs=[_acc0_spec, _acc1_spec, _row_spec, _d0_spec, _d1_spec, _b_spec],
    out_specs=_row_spec,
    out_shape=jax.ShapeDtypeStruct((N, D), jnp.float32),
)



@jax.jit
def kernel(x, edge_index, W1, b1, W2, b2):
    src = edge_index[0]
    d2 = edge_index[1].reshape(NW, EPW)
    dst_main = d2[:, :NBATCH * BATCH].reshape(NW, NBATCH, BATCH)
    dst_tail = d2[:, NBATCH * BATCH:]
    s2 = src.reshape(NW, EPW)
    src_tail = s2[:, NBATCH * BATCH:]
    ones = jnp.ones((NP,), jnp.float32)

    deg_parts = _get_deg_sc()(dst_main, dst_tail, ones)
    dp = deg_parts.reshape(2, GRID, 1, ROW_BLK)
    b1r = b1.reshape(1, 1, D)
    b2r = b2.reshape(1, 1, D)

    agg = _get_agg_sc()
    h2 = _lin1(x, dp, dp, W1)
    acc = agg(h2, src, src_tail, dst_main, dst_tail)
    h3 = _lin2(acc, acc, h2, dp, dp, b1r, W2)
    acc2 = agg(h3, src, src_tail, dst_main, dst_tail)
    return _outk(acc2, acc2, h3, dp, dp, b2r)

# --- scband reference (transcript-rebuilt; emitter-appended) ---
"""Pipeline reference for scband-gcnencoder-82566451298969 (READ-ONLY COPY).

The authoritative reference and input builder live on the scoring server;
editing this copy changes nothing except your own understanding.
"""

import jax, jax.numpy as jnp
import numpy as np

N = 10000
E = 320000
D_IN = 128
D_HID = 128
D_OUT = 128


def setup_inputs(seed: int = 0) -> dict:
    key = jax.random.key(seed)
    k1, k2, k3, k4, k5, k6 = jax.random.split(key, 6)
    x = jax.random.normal(k1, (N, D_IN), dtype=jnp.float32)
    edge_index = jax.random.randint(k2, (2, E), 0, N, dtype=jnp.int32)
    s1 = 1.0 / np.sqrt(D_IN)
    s2 = 1.0 / np.sqrt(D_HID)
    W1 = jax.random.normal(k3, (D_IN, D_HID), dtype=jnp.float32) * s1
    b1 = jnp.zeros((D_HID,), dtype=jnp.float32)
    W2 = jax.random.normal(k4, (D_HID, D_OUT), dtype=jnp.float32) * s2
    b2 = jnp.zeros((D_OUT,), dtype=jnp.float32)
    return {"x": x, "edge_index": edge_index, "W1": W1, "b1": b1, "W2": W2, "b2": b2}


def _gcn_conv(x, src, dst, W, b, n):
    # symmetric-normalized GCN aggregation (self-loops already included in src/dst)
    deg = jax.ops.segment_sum(jnp.ones_like(dst, dtype=x.dtype), dst, num_segments=n)
    deg_inv_sqrt = jnp.where(deg > 0, 1.0 / jnp.sqrt(deg), 0.0)
    norm = deg_inv_sqrt[src] * deg_inv_sqrt[dst]
    h = x @ W
    msg = h[src] * norm[:, None]
    out = jax.ops.segment_sum(msg, dst, num_segments=n)
    return out + b


def reference(x, edge_index, W1, b1, W2, b2):
    n = x.shape[0]
    loops = jnp.arange(n, dtype=edge_index.dtype)
    src = jnp.concatenate([edge_index[0], loops])
    dst = jnp.concatenate([edge_index[1], loops])
    h = _gcn_conv(x, src, dst, W1, b1, n)
    h = jax.nn.relu(h)  # dropout is identity in eval mode
    out = _gcn_conv(h, src, dst, W2, b2, n)
    return out

if __name__ == "__main__":
    import jax
    _d = setup_inputs()
    print(jax.jit(kernel)(*tuple(_d.values())))

</pallas_src>

<mosaic_0001>
#map = affine_map<(d0, d1) -> (0, 0)>
#map1 = affine_map<(d0, d1) -> (0)>
#map2 = affine_map<(d0, d1) -> (0, 0, 0)>
module attributes {stable_mosaic.version = 14 : i64} {
  func.func @_agg_sc_body(%arg0: i32, %arg1: i32, %arg2: memref<10240x128xf32, #tpu.memory_space<hbm>>, %arg3: memref<320000xi32, #tpu.memory_space<hbm>>, %arg4: memref<32x16xi32, #tpu.memory_space<hbm>>, %arg5: memref<32x78x128xi32, #tpu.memory_space<hbm>>, %arg6: memref<32x16xi32, #tpu.memory_space<hbm>>, %arg7: memref<2x10240x128xf32, #tpu.memory_space<hbm>>, %arg8: memref<10240x128xf32, #tpu.memory_space<vmem_shared>>, %arg9: memref<512xi32, #tpu.memory_space<vmem>>, %arg10: memref<16xi32, #tpu.memory_space<vmem>>, %arg11: memref<78x128xi32, #tpu.memory_space<vmem>>, %arg12: memref<16xi32, #tpu.memory_space<vmem>>, %arg13: memref<2x128x128xf32, #tpu.memory_space<vmem>>, %arg14: memref<16x128xf32, #tpu.memory_space<vmem>>, %arg15: memref<2x!tpu.dma_semaphore, #tpu.memory_space<semaphore_mem>>, %arg16: memref<4x!tpu.dma_semaphore, #tpu.memory_space<semaphore_mem>>) attributes {dimension_semantics = [#tpu.dimension_semantics<core_parallel>, #tpu.dimension_semantics<subcore_parallel>], iteration_bounds = array<i64: 2, 16>, scalar_prefetch = 0 : i64, scratch_operands = 9 : i64, tpu.core_type = #tpu.core_type<sc_vector_subcore>, window_params = [{transform_indices = #map}, {transform_indices = #map1}, {transform_indices = #map}, {transform_indices = #map2}, {transform_indices = #map}, {transform_indices = #map2}]} {
    %mul3A = arith.constant 2 : i32
    %mul3A_0 = arith.muli %arg1, %mul3A : i32
    %add3A = arith.addi %mul3A_0, %arg0 : i32
    %mul3A_1 = arith.constant 640 : i32
    %mul3A_2 = arith.muli %arg1, %mul3A_1 : i32
    %mul3A_3 = arith.constant 640 : i32
    %mul3A_4 = arith.muli %arg1, %mul3A_3 : i32
    "tpu.region"() ({
      %run_scoped3A = tpu.sem_alloc : memref<!tpu.dma_semaphore, #tpu.memory_space<semaphore_mem>>
      %dma_start3A_125 = arith.constant 0 : i32
      %dma_start3A_126 = tpu.memref_slice %arg8[%mul3A_4, %dma_start3A_125] : memref<10240x128xf32, #tpu.memory_space<vmem_shared>> -> memref<640x128xf32, #tpu.memory_space<vmem_shared>>
      %dma_start3A_127 = arith.constant 0 : i32
      %dma_start3A_128 = tpu.memref_slice %arg2[%mul3A_2, %dma_start3A_127] : memref<10240x128xf32, #tpu.memory_space<hbm>> -> memref<640x128xf32, #tpu.memory_space<hbm>>
      tpu.enqueue_dma source(%dma_start3A_128 : memref<640x128xf32, #tpu.memory_space<hbm>>) target(%dma_start3A_126 : memref<640x128xf32, #tpu.memory_space<vmem_shared>>) target_semaphore(%run_scoped3A : memref<!tpu.dma_semaphore, #tpu.memory_space<semaphore_mem>>)
      %dma_wait3A_129 = arith.constant 0 : i32
      %dma_wait3A_130 = tpu.memref_slice %arg8[%mul3A_4, %dma_wait3A_129] : memref<10240x128xf32, #tpu.memory_space<vmem_shared>> -> memref<640x128xf32, #tpu.memory_space<vmem_shared>>
      %dma_wait3A_131 = arith.constant 0 : i32
      %dma_wait3A_132 = tpu.memref_slice %arg2[%mul3A_2, %dma_wait3A_131] : memref<10240x128xf32, #tpu.memory_space<hbm>> -> memref<640x128xf32, #tpu.memory_space<hbm>>
      tpu.wait_dma2 semaphore(%run_scoped3A : memref<!tpu.dma_semaphore, #tpu.memory_space<semaphore_mem>>) src(%dma_wait3A_132 : memref<640x128xf32, #tpu.memory_space<hbm>>) dst(%dma_wait3A_130 : memref<640x128xf32, #tpu.memory_space<vmem_shared>>)
      tpu.yield
    }) : () -> ()
    "tpu.region"() ({
      %run_scoped3A = tpu.sem_alloc : memref<!tpu.dma_semaphore, #tpu.memory_space<semaphore_mem>>
      %dma_start3A_125 = arith.constant 0 : i32
      %dma_start3A_126 = arith.constant 0 : i32
      %dma_start3A_127 = tpu.memref_slice %arg5[%add3A, %dma_start3A_125, %dma_start3A_126] : memref<32x78x128xi32, #tpu.memory_space<hbm>> -> memref<1x78x128xi32, #tpu.memory_space<hbm>>
      %dma_start3A_128 = tpu.memref_squeeze %dma_start3A_127 : memref<1x78x128xi32, #tpu.memory_space<hbm>> -> memref<78x128xi32, #tpu.memory_space<hbm>>
      %dma_start3A_129 = arith.constant 0 : i32
      %dma_start3A_130 = arith.constant 0 : i32
      %dma_start3A_131 = tpu.memref_slice %arg5[%add3A, %dma_start3A_129, %dma_start3A_130] : memref<32x78x128xi32, #tpu.memory_space<hbm>> -> memref<1x78x128xi32, #tpu.memory_space<hbm>>
      %dma_start3A_132 = tpu.memref_squeeze %dma_start3A_131 : memref<1x78x128xi32, #tpu.memory_space<hbm>> -> memref<78x128xi32, #tpu.memory_space<hbm>>
      tpu.enqueue_dma source(%dma_start3A_132 : memref<78x128xi32, #tpu.memory_space<hbm>>) target(%arg11 : memref<78x128xi32, #tpu.memory_space<vmem>>) target_semaphore(%run_scoped3A : memref<!tpu.dma_semaphore, #tpu.memory_space<semaphore_mem>>)
      %dma_wait3A_133 = arith.constant 0 : i32
      %dma_wait3A_134 = arith.constant 0 : i32
      %dma_wait3A_135 = tpu.memref_slice %arg5[%add3A, %dma_wait3A_133, %dma_wait3A_134] : memref<32x78x128xi32, #tpu.memory_space<hbm>> -> memref<1x78x128xi32, #tpu.memory_space<hbm>>
      %dma_wait3A_136 = tpu.memref_squeeze %dma_wait3A_135 : memref<1x78x128xi32, #tpu.memory_space<hbm>> -> memref<78x128xi32, #tpu.memory_space<hbm>>
      %dma_wait3A_137 = arith.constant 0 : i32
      %dma_wait3A_138 = arith.constant 0 : i32
      %dma_wait3A_139 = tpu.memref_slice %arg5[%add3A, %dma_wait3A_137, %dma_wait3A_138] : memref<32x78x128xi32, #tpu.memory_space<hbm>> -> memref<1x78x128xi32, #tpu.memory_space<hbm>>
      %dma_wait3A_140 = tpu.memref_squeeze %dma_wait3A_139 : memref<1x78x128xi32, #tpu.memory_space<hbm>> -> memref<78x128xi32, #tpu.memory_space<hbm>>
      tpu.wait_dma2 semaphore(%run_scoped3A : memref<!tpu.dma_semaphore, #tpu.memory_space<semaphore_mem>>) src(%dma_wait3A_140 : memref<78x128xi32, #tpu.memory_space<hbm>>) dst(%arg11 : memref<78x128xi32, #tpu.memory_space<vmem>>)
      tpu.yield
    }) : () -> ()
    "tpu.region"() ({
      %run_scoped3A = tpu.sem_alloc : memref<!tpu.dma_semaphore, #tpu.memory_space<semaphore_mem>>
      %dma_start3A_125 = arith.constant 0 : i32
      %dma_start3A_126 = tpu.memref_slice %arg6[%add3A, %dma_start3A_125] : memref<32x16xi32, #tpu.memory_space<hbm>> -> memref<1x16xi32, #tpu.memory_space<hbm>>
      %dma_start3A_127 = tpu.memref_squeeze %dma_start3A_126 : memref<1x16xi32, #tpu.memory_space<hbm>> -> memref<16xi32, #tpu.memory_space<hbm>>
      %dma_start3A_128 = arith.constant 0 : i32
      %dma_start3A_129 = tpu.memref_slice %arg6[%add3A, %dma_start3A_128] : memref<32x16xi32, #tpu.memory_space<hbm>> -> memref<1x16xi32, #tpu.memory_space<hbm>>
      %dma_start3A_130 = tpu.memref_squeeze %dma_start3A_129 : memref<1x16xi32, #tpu.memory_space<hbm>> -> memref<16xi32, #tpu.memory_space<hbm>>
      tpu.enqueue_dma source(%dma_start3A_130 : memref<16xi32, #tpu.memory_space<hbm>>) target(%arg12 : memref<16xi32, #tpu.memory_space<vmem>>) target_semaphore(%run_scoped3A : memref<!tpu.dma_semaphore, #tpu.memory_space<semaphore_mem>>)
      %dma_wait3A_131 = arith.constant 0 : i32
      %dma_wait3A_132 = tpu.memref_slice %arg6[%add3A, %dma_wait3A_131] : memref<32x16xi32, #tpu.memory_space<hbm>> -> memref<1x16xi32, #tpu.memory_space<hbm>>
      %dma_wait3A_133 = tpu.memref_squeeze %dma_wait3A_132 : memref<1x16xi32, #tpu.memory_space<hbm>> -> memref<16xi32, #tpu.memory_space<hbm>>
      %dma_wait3A_134 = arith.constant 0 : i32
      %dma_wait3A_135 = tpu.memref_slice %arg6[%add3A, %dma_wait3A_134] : memref<32x16xi32, #tpu.memory_space<hbm>> -> memref<1x16xi32, #tpu.memory_space<hbm>>
      %dma_wait3A_136 = tpu.memref_squeeze %dma_wait3A_135 : memref<1x16xi32, #tpu.memory_space<hbm>> -> memref<16xi32, #tpu.memory_space<hbm>>
      tpu.wait_dma2 semaphore(%run_scoped3A : memref<!tpu.dma_semaphore, #tpu.memory_space<semaphore_mem>>) src(%dma_wait3A_136 : memref<16xi32, #tpu.memory_space<hbm>>) dst(%arg12 : memref<16xi32, #tpu.memory_space<vmem>>)
      tpu.yield
    }) : () -> ()
    "tpu.region"() ({
      %run_scoped3A = tpu.sem_alloc : memref<!tpu.dma_semaphore, #tpu.memory_space<semaphore_mem>>
      %dma_start3A_125 = arith.constant 0 : i32
      %dma_start3A_126 = tpu.memref_slice %arg4[%add3A, %dma_start3A_125] : memref<32x16xi32, #tpu.memory_space<hbm>> -> memref<1x16xi32, #tpu.memory_space<hbm>>
      %dma_start3A_127 = tpu.memref_squeeze %dma_start3A_126 : memref<1x16xi32, #tpu.memory_space<hbm>> -> memref<16xi32, #tpu.memory_space<hbm>>
      %dma_start3A_128 = arith.constant 0 : i32
      %dma_start3A_129 = tpu.memref_slice %arg4[%add3A, %dma_start3A_128] : memref<32x16xi32, #tpu.memory_space<hbm>> -> memref<1x16xi32, #tpu.memory_space<hbm>>
      %dma_start3A_130 = tpu.memref_squeeze %dma_start3A_129 : memref<1x16xi32, #tpu.memory_space<hbm>> -> memref<16xi32, #tpu.memory_space<hbm>>
      tpu.enqueue_dma source(%dma_start3A_130 : memref<16xi32, #tpu.memory_space<hbm>>) target(%arg10 : memref<16xi32, #tpu.memory_space<vmem>>) target_semaphore(%run_scoped3A : memref<!tpu.dma_semaphore, #tpu.memory_space<semaphore_mem>>)
      %dma_wait3A_131 = arith.constant 0 : i32
      %dma_wait3A_132 = tpu.memref_slice %arg4[%add3A, %dma_wait3A_131] : memref<32x16xi32, #tpu.memory_space<hbm>> -> memref<1x16xi32, #tpu.memory_space<hbm>>
      %dma_wait3A_133 = tpu.memref_squeeze %dma_wait3A_132 : memref<1x16xi32, #tpu.memory_space<hbm>> -> memref<16xi32, #tpu.memory_space<hbm>>
      %dma_wait3A_134 = arith.constant 0 : i32
      %dma_wait3A_135 = tpu.memref_slice %arg4[%add3A, %dma_wait3A_134] : memref<32x16xi32, #tpu.memory_space<hbm>> -> memref<1x16xi32, #tpu.memory_space<hbm>>
      %dma_wait3A_136 = tpu.memref_squeeze %dma_wait3A_135 : memref<1x16xi32, #tpu.memory_space<hbm>> -> memref<16xi32, #tpu.memory_space<hbm>>
      tpu.wait_dma2 semaphore(%run_scoped3A : memref<!tpu.dma_semaphore, #tpu.memory_space<semaphore_mem>>) src(%dma_wait3A_136 : memref<16xi32, #tpu.memory_space<hbm>>) dst(%arg10 : memref<16xi32, #tpu.memory_space<vmem>>)
      tpu.yield
    }) : () -> ()
    %mul3A_5 = arith.constant 10000 : i32
    %mul3A_6 = arith.muli %add3A, %mul3A_5 : i32
    %add3A_7 = arith.constant 0 : i32
    %add3A_8 = arith.addi %mul3A_6, %add3A_7 : i32
    %dma_start3A = arith.constant 0 : i32
    %dma_start3A_9 = arith.constant 0 : i32
    %dma_start3A_10 = tpu.memref_slice %arg9[%dma_start3A_9] : memref<512xi32, #tpu.memory_space<vmem>> -> memref<128xi32, #tpu.memory_space<vmem>>
    %dma_start3A_11 = tpu.memref_slice %arg3[%add3A_8] : memref<320000xi32, #tpu.memory_space<hbm>> -> memref<128xi32, #tpu.memory_space<hbm>>
    %dma_start3A_12 = tpu.memref_slice %arg16[%dma_start3A] : memref<4x!tpu.dma_semaphore, #tpu.memory_space<semaphore_mem>> -> memref<1x!tpu.dma_semaphore, #tpu.memory_space<semaphore_mem>>
    %dma_start3A_13 = tpu.memref_squeeze %dma_start3A_12 : memref<1x!tpu.dma_semaphore, #tpu.memory_space<semaphore_mem>> -> memref<!tpu.dma_semaphore, #tpu.memory_space<semaphore_mem>>
    %dma_start3A_14 = arith.constant 0 : i32
    %dma_start3A_15 = tpu.memref_slice %arg9[%dma_start3A_14] : memref<512xi32, #tpu.memory_space<vmem>> -> memref<128xi32, #tpu.memory_space<vmem>>
    %dma_start3A_16 = tpu.memref_slice %arg3[%add3A_8] : memref<320000xi32, #tpu.memory_space<hbm>> -> memref<128xi32, #tpu.memory_space<hbm>>
    tpu.enqueue_dma source(%dma_start3A_16 : memref<128xi32, #tpu.memory_space<hbm>>) target(%dma_start3A_15 : memref<128xi32, #tpu.memory_space<vmem>>) target_semaphore(%dma_start3A_13 : memref<!tpu.dma_semaphore, #tpu.memory_space<semaphore_mem>>)
    %mul3A_17 = arith.constant 10000 : i32
    %mul3A_18 = arith.muli %add3A, %mul3A_17 : i32
    %add3A_19 = arith.constant 128 : i32
    %add3A_20 = arith.addi %mul3A_18, %add3A_19 : i32
    %dma_start3A_21 = arith.constant 1 : i32
    %dma_start3A_22 = arith.constant 128 : i32
    %dma_start3A_23 = tpu.memref_slice %arg9[%dma_start3A_22] : memref<512xi32, #tpu.memory_space<vmem>> -> memref<128xi32, #tpu.memory_space<vmem>>
    %dma_start3A_24 = tpu.memref_slice %arg3[%add3A_20] : memref<320000xi32, #tpu.memory_space<hbm>> -> memref<128xi32, #tpu.memory_space<hbm>>
    %dma_start3A_25 = tpu.memref_slice %arg16[%dma_start3A_21] : memref<4x!tpu.dma_semaphore, #tpu.memory_space<semaphore_mem>> -> memref<1x!tpu.dma_semaphore, #tpu.memory_space<semaphore_mem>>
    %dma_start3A_26 = tpu.memref_squeeze %dma_start3A_25 : memref<1x!tpu.dma_semaphore, #tpu.memory_space<semaphore_mem>> -> memref<!tpu.dma_semaphore, #tpu.memory_space<semaphore_mem>>
    %dma_start3A_27 = arith.constant 128 : i32
    %dma_start3A_28 = tpu.memref_slice %arg9[%dma_start3A_27] : memref<512xi32, #tpu.memory_space<vmem>> -> memref<128xi32, #tpu.memory_space<vmem>>
    %dma_start3A_29 = tpu.memref_slice %arg3[%add3A_20] : memref<320000xi32, #tpu.memory_space<hbm>> -> memref<128xi32, #tpu.memory_space<hbm>>
    tpu.enqueue_dma source(%dma_start3A_29 : memref<128xi32, #tpu.memory_space<hbm>>) target(%dma_start3A_28 : memref<128xi32, #tpu.memory_space<vmem>>) target_semaphore(%dma_start3A_26 : memref<!tpu.dma_semaphore, #tpu.memory_space<semaphore_mem>>)
    %mul3A_30 = arith.constant 10000 : i32
    %mul3A_31 = arith.muli %add3A, %mul3A_30 : i32
    %add3A_32 = arith.constant 256 : i32
    %add3A_33 = arith.addi %mul3A_31, %add3A_32 : i32
    %dma_start3A_34 = arith.constant 2 : i32
    %dma_start3A_35 = arith.constant 256 : i32
    %dma_start3A_36 = tpu.memref_slice %arg9[%dma_start3A_35] : memref<512xi32, #tpu.memory_space<vmem>> -> memref<128xi32, #tpu.memory_space<vmem>>
    %dma_start3A_37 = tpu.memref_slice %arg3[%add3A_33] : memref<320000xi32, #tpu.memory_space<hbm>> -> memref<128xi32, #tpu.memory_space<hbm>>
    %dma_start3A_38 = tpu.memref_slice %arg16[%dma_start3A_34] : memref<4x!tpu.dma_semaphore, #tpu.memory_space<semaphore_mem>> -> memref<1x!tpu.dma_semaphore, #tpu.memory_space<semaphore_mem>>
    %dma_start3A_39 = tpu.memref_squeeze %dma_start3A_38 : memref<1x!tpu.dma_semaphore, #tpu.memory_space<semaphore_mem>> -> memref<!tpu.dma_semaphore, #tpu.memory_space<semaphore_mem>>
    %dma_start3A_40 = arith.constant 256 : i32
    %dma_start3A_41 = tpu.memref_slice %arg9[%dma_start3A_40] : memref<512xi32, #tpu.memory_space<vmem>> -> memref<128xi32, #tpu.memory_space<vmem>>
    %dma_start3A_42 = tpu.memref_slice %arg3[%add3A_33] : memref<320000xi32, #tpu.memory_space<hbm>> -> memref<128xi32, #tpu.memory_space<hbm>>
    tpu.enqueue_dma source(%dma_start3A_42 : memref<128xi32, #tpu.memory_space<hbm>>) target(%dma_start3A_41 : memref<128xi32, #tpu.memory_space<vmem>>) target_semaphore(%dma_start3A_39 : memref<!tpu.dma_semaphore, #tpu.memory_space<semaphore_mem>>)
    %mul3A_43 = arith.constant 10000 : i32
    %mul3A_44 = arith.muli %add3A, %mul3A_43 : i32
    %add3A_45 = arith.constant 384 : i32
    %add3A_46 = arith.addi %mul3A_44, %add3A_45 : i32
    %dma_start3A_47 = arith.constant 3 : i32
    %dma_start3A_48 = arith.constant 384 : i32
    %dma_start3A_49 = tpu.memref_slice %arg9[%dma_start3A_48] : memref<512xi32, #tpu.memory_space<vmem>> -> memref<128xi32, #tpu.memory_space<vmem>>
    %dma_start3A_50 = tpu.memref_slice %arg3[%add3A_46] : memref<320000xi32, #tpu.memory_space<hbm>> -> memref<128xi32, #tpu.memory_space<hbm>>
    %dma_start3A_51 = tpu.memref_slice %arg16[%dma_start3A_47] : memref<4x!tpu.dma_semaphore, #tpu.memory_space<semaphore_mem>> -> memref<1x!tpu.dma_semaphore, #tpu.memory_space<semaphore_mem>>
    %dma_start3A_52 = tpu.memref_squeeze %dma_start3A_51 : memref<1x!tpu.dma_semaphore, #tpu.memory_space<semaphore_mem>> -> memref<!tpu.dma_semaphore, #tpu.memory_space<semaphore_mem>>
    %dma_start3A_53 = arith.constant 384 : i32
    %dma_start3A_54 = tpu.memref_slice %arg9[%dma_start3A_53] : memref<512xi32, #tpu.memory_space<vmem>> -> memref<128xi32, #tpu.memory_space<vmem>>
    %dma_start3A_55 = tpu.memref_slice %arg3[%add3A_46] : memref<320000xi32, #tpu.memory_space<hbm>> -> memref<128xi32, #tpu.memory_space<hbm>>
    tpu.enqueue_dma source(%dma_start3A_55 : memref<128xi32, #tpu.memory_space<hbm>>) target(%dma_start3A_54 : memref<128xi32, #tpu.memory_space<vmem>>) target_semaphore(%dma_start3A_52 : memref<!tpu.dma_semaphore, #tpu.memory_space<semaphore_mem>>)
    %barrier3A = arith.constant 0 : index
    tpu.barrier barrier_id(%barrier3A)
    %dma_wait3A = arith.constant 0 : i32
    %dma_wait3A_56 = arith.constant 0 : i32
    %dma_wait3A_57 = tpu.memref_slice %arg9[%dma_wait3A_56] : memref<512xi32, #tpu.memory_space<vmem>> -> memref<128xi32, #tpu.memory_space<vmem>>
    %dma_wait3A_58 = arith.constant 0 : i32
    %dma_wait3A_59 = tpu.memref_slice %arg3[%dma_wait3A_58] : memref<320000xi32, #tpu.memory_space<hbm>> -> memref<128xi32, #tpu.memory_space<hbm>>
    %dma_wait3A_60 = tpu.memref_slice %arg16[%dma_wait3A] : memref<4x!tpu.dma_semaphore, #tpu.memory_space<semaphore_mem>> -> memref<1x!tpu.dma_semaphore, #tpu.memory_space<semaphore_mem>>
    %dma_wait3A_61 = tpu.memref_squeeze %dma_wait3A_60 : memref<1x!tpu.dma_semaphore, #tpu.memory_space<semaphore_mem>> -> memref<!tpu.dma_semaphore, #tpu.memory_space<semaphore_mem>>
    %dma_wait3A_62 = arith.constant 0 : i32
    %dma_wait3A_63 = tpu.memref_slice %arg9[%dma_wait3A_62] : memref<512xi32, #tpu.memory_space<vmem>> -> memref<128xi32, #tpu.memory_space<vmem>>
    %dma_wait3A_64 = arith.constant 0 : i32
    %dma_wait3A_65 = tpu.memref_slice %arg3[%dma_wait3A_64] : memref<320000xi32, #tpu.memory_space<hbm>> -> memref<128xi32, #tpu.memory_space<hbm>>
    tpu.wait_dma2 semaphore(%dma_wait3A_61 : memref<!tpu.dma_semaphore, #tpu.memory_space<semaphore_mem>>) src(%dma_wait3A_65 : memref<128xi32, #tpu.memory_space<hbm>>) dst(%dma_wait3A_63 : memref<128xi32, #tpu.memory_space<vmem>>)
    %dma_start3A_66 = arith.constant 0 : i32
    %dma_start3A_67 = arith.constant 0 : i32
    %dma_start3A_68 = arith.constant 0 : i32
    %dma_start3A_69 = arith.constant 0 : i32
    %dma_start3A_70 = tpu.memref_slice %arg13[%dma_start3A_66, %dma_start3A_68, %dma_start3A_69] : memref<2x128x128xf32, #tpu.memory_space<vmem>> -> memref<1x128x128xf32, #tpu.memory_space<vmem>>
    %dma_start3A_71 = tpu.memref_squeeze %dma_start3A_70 : memref<1x128x128xf32, #tpu.memory_space<vmem>> -> memref<128x128xf32, #tpu.memory_space<vmem>>
    %dma_start3A_72 = arith.constant 0 : i32
    %dma_start3A_73 = tpu.memref_slice %arg9[%dma_start3A_72] : memref<512xi32, #tpu.memory_space<vmem>> -> memref<128xi32, #tpu.memory_space<vmem>>
    %dma_start3A_74 = arith.constant 0 : i32
    %dma_start3A_75 = arith.constant 0 : i32
    %dma_start3A_76 = tpu.memref_slice %arg2[%dma_start3A_74, %dma_start3A_75] : memref<10240x128xf32, #tpu.memory_space<hbm>> -> memref<10240x128xf32, #tpu.memory_space<hbm>>
    %dma_start3A_77 = tpu.memref_slice %arg15[%dma_start3A_67] : memref<2x!tpu.dma_semaphore, #tpu.memory_space<semaphore_mem>> -> memref<1x!tpu.dma_semaphore, #tpu.memory_space<semaphore_mem>>
    %dma_start3A_78 = tpu.memref_squeeze %dma_start3A_77 : memref<1x!tpu.dma_semaphore, #tpu.memory_space<semaphore_mem>> -> memref<!tpu.dma_semaphore, #tpu.memory_space<semaphore_mem>>
    tpu.enqueue_indirect_dma source(%dma_start3A_76 : memref<10240x128xf32, #tpu.memory_space<hbm>>) target(%dma_start3A_71 : memref<128x128xf32, #tpu.memory_space<vmem>>) offsets(%dma_start3A_73 : memref<128xi32, #tpu.memory_space<vmem>>) semaphore(%dma_start3A_78 : memref<!tpu.dma_semaphore, #tpu.memory_space<semaphore_mem>>)
    %dma_wait3A_79 = arith.constant 1 : i32
    %dma_wait3A_80 = arith.constant 128 : i32
    %dma_wait3A_81 = tpu.memref_slice %arg9[%dma_wait3A_80] : memref<512xi32, #tpu.memory_space<vmem>> -> memref<128xi32, #tpu.memory_space<vmem>>
    %dma_wait3A_82 = arith.constant 0 : i32
    %dma_wait3A_83 = tpu.memref_slice %arg3[%dma_wait3A_82] : memref<320000xi32, #tpu.memory_space<hbm>> -> memref<128xi32, #tpu.memory_space<hbm>>
    %dma_wait3A_84 = tpu.memref_slice %arg16[%dma_wait3A_79] : memref<4x!tpu.dma_semaphore, #tpu.memory_space<semaphore_mem>> -> memref<1x!tpu.dma_semaphore, #tpu.memory_space<semaphore_mem>>
    %dma_wait3A_85 = tpu.memref_squeeze %dma_wait3A_84 : memref<1x!tpu.dma_semaphore, #tpu.memory_space<semaphore_mem>> -> memref<!tpu.dma_semaphore, #tpu.memory_space<semaphore_mem>>
    %dma_wait3A_86 = arith.constant 128 : i32
    %dma_wait3A_87 = tpu.memref_slice %arg9[%dma_wait3A_86] : memref<512xi32, #tpu.memory_space<vmem>> -> memref<128xi32, #tpu.memory_space<vmem>>
    %dma_wait3A_88 = arith.constant 0 : i32
    %dma_wait3A_89 = tpu.memref_slice %arg3[%dma_wait3A_88] : memref<320000xi32, #tpu.memory_space<hbm>> -> memref<128xi32, #tpu.memory_space<hbm>>
    tpu.wait_dma2 semaphore(%dma_wait3A_85 : memref<!tpu.dma_semaphore, #tpu.memory_space<semaphore_mem>>) src(%dma_wait3A_89 : memref<128xi32, #tpu.memory_space<hbm>>) dst(%dma_wait3A_87 : memref<128xi32, #tpu.memory_space<vmem>>)
    %dma_start3A_90 = arith.constant 1 : i32
    %dma_start3A_91 = arith.constant 1 : i32
    %dma_start3A_92 = arith.constant 0 : i32
    %dma_start3A_93 = arith.constant 0 : i32
    %dma_start3A_94 = tpu.memref_slice %arg13[%dma_start3A_90, %dma_start3A_92, %dma_start3A_93] : memref<2x128x128xf32, #tpu.memory_space<vmem>> -> memref<1x128x128xf32, #tpu.memory_space<vmem>>
    %dma_start3A_95 = tpu.memref_squeeze %dma_start3A_94 : memref<1x128x128xf32, #tpu.memory_space<vmem>> -> memref<128x128xf32, #tpu.memory_space<vmem>>
    %dma_start3A_96 = arith.constant 128 : i32
    %dma_start3A_97 = tpu.memref_slice %arg9[%dma_start3A_96] : memref<512xi32, #tpu.memory_space<vmem>> -> memref<128xi32, #tpu.memory_space<vmem>>
    %dma_start3A_98 = arith.constant 0 : i32
    %dma_start3A_99 = arith.constant 0 : i32
    %dma_start3A_100 = tpu.memref_slice %arg2[%dma_start3A_98, %dma_start3A_99] : memref<10240x128xf32, #tpu.memory_space<hbm>> -> memref<10240x128xf32, #tpu.memory_space<hbm>>
    %dma_start3A_101 = tpu.memref_slice %arg15[%dma_start3A_91] : memref<2x!tpu.dma_semaphore, #tpu.memory_space<semaphore_mem>> -> memref<1x!tpu.dma_semaphore, #tpu.memory_space<semaphore_mem>>
    %dma_start3A_102 = tpu.memref_squeeze %dma_start3A_101 : memref<1x!tpu.dma_semaphore, #tpu.memory_space<semaphore_mem>> -> memref<!tpu.dma_semaphore, #tpu.memory_space<semaphore_mem>>
    tpu.enqueue_indirect_dma source(%dma_start3A_100 : memref<10240x128xf32, #tpu.memory_space<hbm>>) target(%dma_start3A_95 : memref<128x128xf32, #tpu.memory_space<vmem>>) offsets(%dma_start3A_97 : memref<128xi32, #tpu.memory_space<vmem>>) semaphore(%dma_start3A_102 : memref<!tpu.dma_semaphore, #tpu.memory_space<semaphore_mem>>)
    %scan3A = arith.constant 0 : i32
    %scan3A_103 = arith.constant 0 : i32
    %scan3A_104 = arith.constant 78 : i32
    %scan3A_105 = arith.addi %scan3A_103, %scan3A_104 : i32
    %scan3A_106 = arith.constant 1 : i32
    scf.for %scan3A_125 = %scan3A_103 to %scan3A_105 step %scan3A_106  : i32 {
      %rem3A = arith.constant 2 : i32
      %rem3A_126 = arith.remsi %scan3A_125, %rem3A : i32
      %dma_wait3A_127 = arith.constant 0 : i32
      %dma_wait3A_128 = arith.constant 0 : i32
      %dma_wait3A_129 = tpu.memref_slice %arg13[%rem3A_126, %dma_wait3A_127, %dma_wait3A_128] : memref<2x128x128xf32, #tpu.memory_space<vmem>> -> memref<1x128x128xf32, #tpu.memory_space<vmem>>
      %dma_wait3A_130 = tpu.memref_squeeze %dma_wait3A_129 : memref<1x128x128xf32, #tpu.memory_space<vmem>> -> memref<128x128xf32, #tpu.memory_space<vmem>>
      %dma_wait3A_131 = arith.constant 0 : i32
      %dma_wait3A_132 = arith.constant 0 : i32
      %dma_wait3A_133 = tpu.memref_slice %arg2[%dma_wait3A_131, %dma_wait3A_132] : memref<10240x128xf32, #tpu.memory_space<hbm>> -> memref<128x128xf32, #tpu.memory_space<hbm>>
      %dma_wait3A_134 = tpu.memref_slice %arg15[%rem3A_126] : memref<2x!tpu.dma_semaphore, #tpu.memory_space<semaphore_mem>> -> memref<1x!tpu.dma_semaphore, #tpu.memory_space<semaphore_mem>>
      %dma_wait3A_135 = tpu.memref_squeeze %dma_wait3A_134 : memref<1x!tpu.dma_semaphore, #tpu.memory_space<semaphore_mem>> -> memref<!tpu.dma_semaphore, #tpu.memory_space<semaphore_mem>>
      %dma_wait3A_136 = arith.constant 0 : i32
      %dma_wait3A_137 = arith.constant 0 : i32
      %dma_wait3A_138 = tpu.memref_slice %arg13[%rem3A_126, %dma_wait3A_136, %dma_wait3A_137] : memref<2x128x128xf32, #tpu.memory_space<vmem>> -> memref<1x128x128xf32, #tpu.memory_space<vmem>>
      %dma_wait3A_139 = tpu.memref_squeeze %dma_wait3A_138 : memref<1x128x128xf32, #tpu.memory_space<vmem>> -> memref<128x128xf32, #tpu.memory_space<vmem>>
      %dma_wait3A_140 = arith.constant 0 : i32
      %dma_wait3A_141 = arith.constant 0 : i32
      %dma_wait3A_142 = tpu.memref_slice %arg2[%dma_wait3A_140, %dma_wait3A_141] : memref<10240x128xf32, #tpu.memory_space<hbm>> -> memref<128x128xf32, #tpu.memory_space<hbm>>
      tpu.wait_dma2 semaphore(%dma_wait3A_135 : memref<!tpu.dma_semaphore, #tpu.memory_space<semaphore_mem>>) src(%dma_wait3A_142 : memref<128x128xf32, #tpu.memory_space<hbm>>) dst(%dma_wait3A_139 : memref<128x128xf32, #tpu.memory_space<vmem>>)
      "tpu.region"() ({
        %run_scoped3A = tpu.sem_alloc : memref<!tpu.dma_semaphore, #tpu.memory_space<semaphore_mem>>
        %dma_start3A_154 = arith.constant 0 : i32
        %dma_start3A_155 = arith.constant 0 : i32
        %dma_start3A_156 = tpu.memref_slice %arg13[%rem3A_126, %dma_start3A_154, %dma_start3A_155] : memref<2x128x128xf32, #tpu.memory_space<vmem>> -> memref<1x128x128xf32, #tpu.memory_space<vmem>>
        %dma_start3A_157 = tpu.memref_squeeze %dma_start3A_156 : memref<1x128x128xf32, #tpu.memory_space<vmem>> -> memref<128x128xf32, #tpu.memory_space<vmem>>
        %dma_start3A_158 = arith.constant 0 : i32
        %dma_start3A_159 = tpu.memref_slice %arg11[%scan3A_125, %dma_start3A_158] : memref<78x128xi32, #tpu.memory_space<vmem>> -> memref<1x128xi32, #tpu.memory_space<vmem>>
        %dma_start3A_160 = tpu.memref_squeeze %dma_start3A_159 : memref<1x128xi32, #tpu.memory_space<vmem>> -> memref<128xi32, #tpu.memory_space<vmem>>
        %dma_start3A_161 = arith.constant 0 : i32
        %dma_start3A_162 = arith.constant 0 : i32
        %dma_start3A_163 = tpu.memref_slice %arg8[%dma_start3A_161, %dma_start3A_162] : memref<10240x128xf32, #tpu.memory_space<vmem_shared>> -> memref<10240x128xf32, #tpu.memory_space<vmem_shared>>
        tpu.enqueue_indirect_dma source(%dma_start3A_157 : memref<128x128xf32, #tpu.memory_space<vmem>>) target(%dma_start3A_163 : memref<10240x128xf32, #tpu.memory_space<vmem_shared>>) offsets(%dma_start3A_160 : memref<128xi32, #tpu.memory_space<vmem>>) semaphore(%run_scoped3A : memref<!tpu.dma_semaphore, #tpu.memory_space<semaphore_mem>>) {add = true}
        %dma_wait3A_164 = arith.constant 0 : i32
        %dma_wait3A_165 = arith.constant 0 : i32
        %dma_wait3A_166 = tpu.memref_slice %arg13[%rem3A_126, %dma_wait3A_164, %dma_wait3A_165] : memref<2x128x128xf32, #tpu.memory_space<vmem>> -> memref<1x128x128xf32, #tpu.memory_space<vmem>>
        %dma_wait3A_167 = tpu.memref_squeeze %dma_wait3A_166 : memref<1x128x128xf32, #tpu.memory_space<vmem>> -> memref<128x128xf32, #tpu.memory_space<vmem>>
        %dma_wait3A_168 = arith.constant 0 : i32
        %dma_wait3A_169 = tpu.memref_slice %arg11[%scan3A_125, %dma_wait3A_168] : memref<78x128xi32, #tpu.memory_space<vmem>> -> memref<1x128xi32, #tpu.memory_space<vmem>>
        %dma_wait3A_170 = tpu.memref_squeeze %dma_wait3A_169 : memref<1x128xi32, #tpu.memory_space<vmem>> -> memref<128xi32, #tpu.memory_space<vmem>>
        %dma_wait3A_171 = arith.constant 0 : i32
        %dma_wait3A_172 = arith.constant 0 : i32
        %dma_wait3A_173 = tpu.memref_slice %arg8[%dma_wait3A_171, %dma_wait3A_172] : memref<10240x128xf32, #tpu.memory_space<vmem_shared>> -> memref<10240x128xf32, #tpu.memory_space<vmem_shared>>
        tpu.wait_indirect_dma semaphore(%run_scoped3A : memref<!tpu.dma_semaphore, #tpu.memory_space<semaphore_mem>>) src(%dma_wait3A_167 : memref<128x128xf32, #tpu.memory_space<vmem>>) dst(%dma_wait3A_173 : memref<10240x128xf32, #tpu.memory_space<vmem_shared>>)
        tpu.yield
      }) : () -> ()
      %add3A_143 = arith.constant 2 : i32
      %add3A_144 = arith.addi %scan3A_125, %add3A_143 : i32
      %lt3A = arith.constant 78 : i32
      %lt3A_145 = arith.cmpi slt, %add3A_144, %lt3A : i32
      %convert_element_type3A = arith.extui %lt3A_145 : i1 to i32
      %cond3A = arith.constant 0 : i32
      %cond3A_146 = arith.cmpi ne, %convert_element_type3A, %cond3A : i32
      scf.if %cond3A_146 {
        %add3A_154 = arith.constant 2 : i32
        %add3A_155 = arith.addi %scan3A_125, %add3A_154 : i32
        %rem3A_156 = arith.constant 4 : i32
        %rem3A_157 = arith.remsi %add3A_155, %rem3A_156 : i32
        %mul3A_158 = arith.constant 128 : i32
        %mul3A_159 = arith.muli %rem3A_157, %mul3A_158 : i32
        %dma_wait3A_160 = tpu.memref_slice %arg9[%mul3A_159] : memref<512xi32, #tpu.memory_space<vmem>> -> memref<128xi32, #tpu.memory_space<vmem>>
        %dma_wait3A_161 = arith.constant 0 : i32
        %dma_wait3A_162 = tpu.memref_slice %arg3[%dma_wait3A_161] : memref<320000xi32, #tpu.memory_space<hbm>> -> memref<128xi32, #tpu.memory_space<hbm>>
        %dma_wait3A_163 = tpu.memref_slice %arg16[%rem3A_157] : memref<4x!tpu.dma_semaphore, #tpu.memory_space<semaphore_mem>> -> memref<1x!tpu.dma_semaphore, #tpu.memory_space<semaphore_mem>>
        %dma_wait3A_164 = tpu.memref_squeeze %dma_wait3A_163 : memref<1x!tpu.dma_semaphore, #tpu.memory_space<semaphore_mem>> -> memref<!tpu.dma_semaphore, #tpu.memory_space<semaphore_mem>>
        %dma_wait3A_165 = tpu.memref_slice %arg9[%mul3A_159] : memref<512xi32, #tpu.memory_space<vmem>> -> memref<128xi32, #tpu.memory_space<vmem>>
        %dma_wait3A_166 = arith.constant 0 : i32
        %dma_wait3A_167 = tpu.memref_slice %arg3[%dma_wait3A_166] : memref<320000xi32, #tpu.memory_space<hbm>> -> memref<128xi32, #tpu.memory_space<hbm>>
        tpu.wait_dma2 semaphore(%dma_wait3A_164 : memref<!tpu.dma_semaphore, #tpu.memory_space<semaphore_mem>>) src(%dma_wait3A_167 : memref<128xi32, #tpu.memory_space<hbm>>) dst(%dma_wait3A_165 : memref<128xi32, #tpu.memory_space<vmem>>)
        %mul3A_168 = arith.constant 128 : i32
        %mul3A_169 = arith.muli %rem3A_157, %mul3A_168 : i32
        %dma_start3A_170 = arith.constant 0 : i32
        %dma_start3A_171 = arith.constant 0 : i32
        %dma_start3A_172 = tpu.memref_slice %arg13[%rem3A_126, %dma_start3A_170, %dma_start3A_171] : memref<2x128x128xf32, #tpu.memory_space<vmem>> -> memref<1x128x128xf32, #tpu.memory_space<vmem>>
        %dma_start3A_173 = tpu.memref_squeeze %dma_start3A_172 : memref<1x128x128xf32, #tpu.memory_space<vmem>> -> memref<128x128xf32, #tpu.memory_space<vmem>>
        %dma_start3A_174 = tpu.memref_slice %arg9[%mul3A_169] : memref<512xi32, #tpu.memory_space<vmem>> -> memref<128xi32, #tpu.memory_space<vmem>>
        %dma_start3A_175 = arith.constant 0 : i32
        %dma_start3A_176 = arith.constant 0 : i32
        %dma_start3A_177 = tpu.memref_slice %arg2[%dma_start3A_175, %dma_start3A_176] : memref<10240x128xf32, #tpu.memory_space<hbm>> -> memref<10240x128xf32, #tpu.memory_space<hbm>>
        %dma_start3A_178 = tpu.memref_slice %arg15[%rem3A_126] : memref<2x!tpu.dma_semaphore, #tpu.memory_space<semaphore_mem>> -> memref<1x!tpu.dma_semaphore, #tpu.memory_space<semaphore_mem>>
        %dma_start3A_179 = tpu.memref_squeeze %dma_start3A_178 : memref<1x!tpu.dma_semaphore, #tpu.memory_space<semaphore_mem>> -> memref<!tpu.dma_semaphore, #tpu.memory_space<semaphore_mem>>
        tpu.enqueue_indirect_dma source(%dma_start3A_177 : memref<10240x128xf32, #tpu.memory_space<hbm>>) target(%dma_start3A_173 : memref<128x128xf32, #tpu.memory_space<vmem>>) offsets(%dma_start3A_174 : memref<128xi32, #tpu.memory_space<vmem>>) semaphore(%dma_start3A_179 : memref<!tpu.dma_semaphore, #tpu.memory_space<semaphore_mem>>)
      } else {
      }
      %add3A_147 = arith.constant 4 : i32
      %add3A_148 = arith.addi %scan3A_125, %add3A_147 : i32
      %lt3A_149 = arith.constant 78 : i32
      %lt3A_150 = arith.cmpi slt, %add3A_148, %lt3A_149 : i32
      %convert_element_type3A_151 = arith.extui %lt3A_150 : i1 to i32
      %cond3A_152 = arith.constant 0 : i32
      %cond3A_153 = arith.cmpi ne, %convert_element_type3A_151, %cond3A_152 : i32
      scf.if %cond3A_153 {
        %add3A_154 = arith.constant 4 : i32
        %add3A_155 = arith.addi %scan3A_125, %add3A_154 : i32
        %rem3A_156 = arith.constant 4 : i32
        %rem3A_157 = arith.remsi %scan3A_125, %rem3A_156 : i32
        %mul3A_158 = arith.constant 10000 : i32
        %mul3A_159 = arith.muli %add3A, %mul3A_158 : i32
        %mul3A_160 = arith.constant 128 : i32
        %mul3A_161 = arith.muli %add3A_155, %mul3A_160 : i32
        %add3A_162 = arith.addi %mul3A_159, %mul3A_161 : i32
        %mul3A_163 = arith.constant 128 : i32
        %mul3A_164 = arith.muli %rem3A_157, %mul3A_163 : i32
        %dma_start3A_165 = tpu.memref_slice %arg9[%mul3A_164] : memref<512xi32, #tpu.memory_space<vmem>> -> memref<128xi32, #tpu.memory_space<vmem>>
        %dma_start3A_166 = tpu.memref_slice %arg3[%add3A_162] : memref<320000xi32, #tpu.memory_space<hbm>> -> memref<128xi32, #tpu.memory_space<hbm>>
        %dma_start3A_167 = tpu.memref_slice %arg16[%rem3A_157] : memref<4x!tpu.dma_semaphore, #tpu.memory_space<semaphore_mem>> -> memref<1x!tpu.dma_semaphore, #tpu.memory_space<semaphore_mem>>
        %dma_start3A_168 = tpu.memref_squeeze %dma_start3A_167 : memref<1x!tpu.dma_semaphore, #tpu.memory_space<semaphore_mem>> -> memref<!tpu.dma_semaphore, #tpu.memory_space<semaphore_mem>>
        %dma_start3A_169 = tpu.memref_slice %arg9[%mul3A_164] : memref<512xi32, #tpu.memory_space<vmem>> -> memref<128xi32, #tpu.memory_space<vmem>>
        %dma_start3A_170 = tpu.memref_slice %arg3[%add3A_162] : memref<320000xi32, #tpu.memory_space<hbm>> -> memref<128xi32, #tpu.memory_space<hbm>>
        tpu.enqueue_dma source(%dma_start3A_170 : memref<128xi32, #tpu.memory_space<hbm>>) target(%dma_start3A_169 : memref<128xi32, #tpu.memory_space<vmem>>) target_semaphore(%dma_start3A_168 : memref<!tpu.dma_semaphore, #tpu.memory_space<semaphore_mem>>)
      } else {
      }
    }
    %scan3A_107 = arith.constant 78 : i32
    %dma_start3A_108 = arith.constant 0 : i32
    %dma_start3A_109 = arith.constant 0 : i32
    %dma_start3A_110 = arith.constant 0 : i32
    %dma_start3A_111 = tpu.memref_slice %arg2[%dma_start3A_109, %dma_start3A_110] : memref<10240x128xf32, #tpu.memory_space<hbm>> -> memref<10240x128xf32, #tpu.memory_space<hbm>>
    %dma_start3A_112 = tpu.memref_slice %arg15[%dma_start3A_108] : memref<2x!tpu.dma_semaphore, #tpu.memory_space<semaphore_mem>> -> memref<1x!tpu.dma_semaphore, #tpu.memory_space<semaphore_mem>>
    %dma_start3A_113 = tpu.memref_squeeze %dma_start3A_112 : memref<1x!tpu.dma_semaphore, #tpu.memory_space<semaphore_mem>> -> memref<!tpu.dma_semaphore, #tpu.memory_space<semaphore_mem>>
    tpu.enqueue_indirect_dma source(%dma_start3A_111 : memref<10240x128xf32, #tpu.memory_space<hbm>>) target(%arg14 : memref<16x128xf32, #tpu.memory_space<vmem>>) offsets(%arg10 : memref<16xi32, #tpu.memory_space<vmem>>) semaphore(%dma_start3A_113 : memref<!tpu.dma_semaphore, #tpu.memory_space<semaphore_mem>>)
    %dma_wait3A_114 = arith.constant 0 : i32
    %dma_wait3A_115 = arith.constant 0 : i32
    %dma_wait3A_116 = arith.constant 0 : i32
    %dma_wait3A_117 = tpu.memref_slice %arg2[%dma_wait3A_115, %dma_wait3A_116] : memref<10240x128xf32, #tpu.memory_space<hbm>> -> memref<10240x128xf32, #tpu.memory_space<hbm>>
    %dma_wait3A_118 = tpu.memref_slice %arg15[%dma_wait3A_114] : memref<2x!tpu.dma_semaphore, #tpu.memory_space<semaphore_mem>> -> memref<1x!tpu.dma_semaphore, #tpu.memory_space<semaphore_mem>>
    %dma_wait3A_119 = tpu.memref_squeeze %dma_wait3A_118 : memref<1x!tpu.dma_semaphore, #tpu.memory_space<semaphore_mem>> -> memref<!tpu.dma_semaphore, #tpu.memory_space<semaphore_mem>>
    tpu.wait_indirect_dma semaphore(%dma_wait3A_119 : memref<!tpu.dma_semaphore, #tpu.memory_space<semaphore_mem>>) src(%dma_wait3A_117 : memref<10240x128xf32, #tpu.memory_space<hbm>>) dst(%arg14 : memref<16x128xf32, #tpu.memory_space<vmem>>)
    "tpu.region"() ({
      %run_scoped3A = tpu.sem_alloc : memref<!tpu.dma_semaphore, #tpu.memory_space<semaphore_mem>>
      %dma_start3A_125 = arith.constant 0 : i32
      %dma_start3A_126 = arith.constant 0 : i32
      %dma_start3A_127 = tpu.memref_slice %arg8[%dma_start3A_125, %dma_start3A_126] : memref<10240x128xf32, #tpu.memory_space<vmem_shared>> -> memref<10240x128xf32, #tpu.memory_space<vmem_shared>>
      tpu.enqueue_indirect_dma source(%arg14 : memref<16x128xf32, #tpu.memory_space<vmem>>) target(%dma_start3A_127 : memref<10240x128xf32, #tpu.memory_space<vmem_shared>>) offsets(%arg12 : memref<16xi32, #tpu.memory_space<vmem>>) semaphore(%run_scoped3A : memref<!tpu.dma_semaphore, #tpu.memory_space<semaphore_mem>>) {add = true}
      %dma_wait3A_128 = arith.constant 0 : i32
      %dma_wait3A_129 = arith.constant 0 : i32
      %dma_wait3A_130 = tpu.memref_slice %arg8[%dma_wait3A_128, %dma_wait3A_129] : memref<10240x128xf32, #tpu.memory_space<vmem_shared>> -> memref<10240x128xf32, #tpu.memory_space<vmem_shared>>
      tpu.wait_indirect_dma semaphore(%run_scoped3A : memref<!tpu.dma_semaphore, #tpu.memory_space<semaphore_mem>>) src(%arg14 : memref<16x128xf32, #tpu.memory_space<vmem>>) dst(%dma_wait3A_130 : memref<10240x128xf32, #tpu.memory_space<vmem_shared>>)
      tpu.yield
    }) : () -> ()
    %barrier3A_120 = arith.constant 0 : index
    tpu.barrier barrier_id(%barrier3A_120)
    %mul3A_121 = arith.constant 640 : i32
    %mul3A_122 = arith.muli %arg1, %mul3A_121 : i32
    %mul3A_123 = arith.constant 640 : i32
    %mul3A_124 = arith.muli %arg1, %mul3A_123 : i32
    "tpu.region"() ({
      %run_scoped3A = tpu.sem_alloc : memref<!tpu.dma_semaphore, #tpu.memory_space<semaphore_mem>>
      %dma_start3A_125 = arith.constant 0 : i32
      %dma_start3A_126 = tpu.memref_slice %arg7[%arg0, %mul3A_124, %dma_start3A_125] : memref<2x10240x128xf32, #tpu.memory_space<hbm>> -> memref<1x640x128xf32, #tpu.memory_space<hbm>>
      %dma_start3A_127 = tpu.memref_squeeze %dma_start3A_126 : memref<1x640x128xf32, #tpu.memory_space<hbm>> -> memref<640x128xf32, #tpu.memory_space<hbm>>
      %dma_start3A_128 = arith.constant 0 : i32
      %dma_start3A_129 = tpu.memref_slice %arg8[%mul3A_122, %dma_start3A_128] : memref<10240x128xf32, #tpu.memory_space<vmem_shared>> -> memref<640x128xf32, #tpu.memory_space<vmem_shared>>
      tpu.enqueue_dma source(%dma_start3A_129 : memref<640x128xf32, #tpu.memory_space<vmem_shared>>) target(%dma_start3A_127 : memref<640x128xf32, #tpu.memory_space<hbm>>) target_semaphore(%run_scoped3A : memref<!tpu.dma_semaphore, #tpu.memory_space<semaphore_mem>>)
      %dma_wait3A_130 = arith.constant 0 : i32
      %dma_wait3A_131 = tpu.memref_slice %arg7[%arg0, %mul3A_124, %dma_wait3A_130] : memref<2x10240x128xf32, #tpu.memory_space<hbm>> -> memref<1x640x128xf32, #tpu.memory_space<hbm>>
      %dma_wait3A_132 = tpu.memref_squeeze %dma_wait3A_131 : memref<1x640x128xf32, #tpu.memory_space<hbm>> -> memref<640x128xf32, #tpu.memory_space<hbm>>
      %dma_wait3A_133 = arith.constant 0 : i32
      %dma_wait3A_134 = tpu.memref_slice %arg8[%mul3A_122, %dma_wait3A_133] : memref<10240x128xf32, #tpu.memory_space<vmem_shared>> -> memref<640x128xf32, #tpu.memory_space<vmem_shared>>
      tpu.wait_dma2 semaphore(%run_scoped3A : memref<!tpu.dma_semaphore, #tpu.memory_space<semaphore_mem>>) src(%dma_wait3A_134 : memref<640x128xf32, #tpu.memory_space<vmem_shared>>) dst(%dma_wait3A_132 : memref<640x128xf32, #tpu.memory_space<hbm>>)
      tpu.yield
    }) : () -> ()
    return
  }
}

#map = affine_map<(d0, d1) -> (0, 0, 0)>
#map1 = affine_map<(d0, d1) -> (0, 0)>
#map2 = affine_map<(d0, d1) -> (0)>
module attributes {stable_mosaic.version = 14 : i64} {
  func.func @_deg_sc_body(%arg0: i32, %arg1: i32, %arg2: memref<32x78x128xi32, #tpu.memory_space<hbm>>, %arg3: memref<32x16xi32, #tpu.memory_space<hbm>>, %arg4: memref<10240xf32, #tpu.memory_space<hbm>>, %arg5: memref<2x10240xf32, #tpu.memory_space<hbm>>, %arg6: memref<10240xf32, #tpu.memory_space<vmem_shared>>, %arg7: memref<78x128xi32, #tpu.memory_space<vmem>>, %arg8: memref<16xi32, #tpu.memory_space<vmem>>, %arg9: memref<128xf32, #tpu.memory_space<vmem>>) attributes {dimension_semantics = [#tpu.dimension_semantics<core_parallel>, #tpu.dimension_semantics<subcore_parallel>], iteration_bounds = array<i64: 2, 16>, scalar_prefetch = 0 : i64, scratch_operands = 4 : i64, tpu.core_type = #tpu.core_type<sc_vector_subcore>, window_params = [{transform_indices = #map}, {transform_indices = #map1}, {transform_indices = #map2}, {transform_indices = #map1}]} {
    %mul3A = arith.constant 2 : i32
    %mul3A_0 = arith.muli %arg1, %mul3A : i32
    %add3A = arith.addi %mul3A_0, %arg0 : i32
    %mul3A_1 = arith.constant 640 : i32
    %mul3A_2 = arith.muli %arg1, %mul3A_1 : i32
    %mul3A_3 = arith.constant 640 : i32
    %mul3A_4 = arith.muli %arg1, %mul3A_3 : i32
    "tpu.region"() ({
      %run_scoped3A = tpu.sem_alloc : memref<!tpu.dma_semaphore, #tpu.memory_space<semaphore_mem>>
      %dma_start3A = tpu.memref_slice %arg6[%mul3A_4] : memref<10240xf32, #tpu.memory_space<vmem_shared>> -> memref<640xf32, #tpu.memory_space<vmem_shared>>
      %dma_start3A_15 = tpu.memref_slice %arg4[%mul3A_2] : memref<10240xf32, #tpu.memory_space<hbm>> -> memref<640xf32, #tpu.memory_space<hbm>>
      tpu.enqueue_dma source(%dma_start3A_15 : memref<640xf32, #tpu.memory_space<hbm>>) target(%dma_start3A : memref<640xf32, #tpu.memory_space<vmem_shared>>) target_semaphore(%run_scoped3A : memref<!tpu.dma_semaphore, #tpu.memory_space<semaphore_mem>>)
      %dma_wait3A = tpu.memref_slice %arg6[%mul3A_4] : memref<10240xf32, #tpu.memory_space<vmem_shared>> -> memref<640xf32, #tpu.memory_space<vmem_shared>>
      %dma_wait3A_16 = tpu.memref_slice %arg4[%mul3A_2] : memref<10240xf32, #tpu.memory_space<hbm>> -> memref<640xf32, #tpu.memory_space<hbm>>
      tpu.wait_dma2 semaphore(%run_scoped3A : memref<!tpu.dma_semaphore, #tpu.memory_space<semaphore_mem>>) src(%dma_wait3A_16 : memref<640xf32, #tpu.memory_space<hbm>>) dst(%dma_wait3A : memref<640xf32, #tpu.memory_space<vmem_shared>>)
      tpu.yield
    }) : () -> ()
    "tpu.region"() ({
      %run_scoped3A = tpu.sem_alloc : memref<!tpu.dma_semaphore, #tpu.memory_space<semaphore_mem>>
      %dma_start3A = arith.constant 0 : i32
      %dma_start3A_15 = tpu.memref_slice %arg4[%dma_start3A] : memref<10240xf32, #tpu.memory_space<hbm>> -> memref<128xf32, #tpu.memory_space<hbm>>
      %dma_start3A_16 = arith.constant 0 : i32
      %dma_start3A_17 = tpu.memref_slice %arg4[%dma_start3A_16] : memref<10240xf32, #tpu.memory_space<hbm>> -> memref<128xf32, #tpu.memory_space<hbm>>
      tpu.enqueue_dma source(%dma_start3A_17 : memref<128xf32, #tpu.memory_space<hbm>>) target(%arg9 : memref<128xf32, #tpu.memory_space<vmem>>) target_semaphore(%run_scoped3A : memref<!tpu.dma_semaphore, #tpu.memory_space<semaphore_mem>>)
      %dma_wait3A = arith.constant 0 : i32
      %dma_wait3A_18 = tpu.memref_slice %arg4[%dma_wait3A] : memref<10240xf32, #tpu.memory_space<hbm>> -> memref<128xf32, #tpu.memory_space<hbm>>
      %dma_wait3A_19 = arith.constant 0 : i32
      %dma_wait3A_20 = tpu.memref_slice %arg4[%dma_wait3A_19] : memref<10240xf32, #tpu.memory_space<hbm>> -> memref<128xf32, #tpu.memory_space<hbm>>
      tpu.wait_dma2 semaphore(%run_scoped3A : memref<!tpu.dma_semaphore, #tpu.memory_space<semaphore_mem>>) src(%dma_wait3A_20 : memref<128xf32, #tpu.memory_space<hbm>>) dst(%arg9 : memref<128xf32, #tpu.memory_space<vmem>>)
      tpu.yield
    }) : () -> ()
    "tpu.region"() ({
      %run_scoped3A = tpu.sem_alloc : memref<!tpu.dma_semaphore, #tpu.memory_space<semaphore_mem>>
      %dma_start3A = arith.constant 0 : i32
      %dma_start3A_15 = arith.constant 0 : i32
      %dma_start3A_16 = tpu.memref_slice %arg2[%add3A, %dma_start3A, %dma_start3A_15] : memref<32x78x128xi32, #tpu.memory_space<hbm>> -> memref<1x78x128xi32, #tpu.memory_space<hbm>>
      %dma_start3A_17 = tpu.memref_squeeze %dma_start3A_16 : memref<1x78x128xi32, #tpu.memory_space<hbm>> -> memref<78x128xi32, #tpu.memory_space<hbm>>
      %dma_start3A_18 = arith.constant 0 : i32
      %dma_start3A_19 = arith.constant 0 : i32
      %dma_start3A_20 = tpu.memref_slice %arg2[%add3A, %dma_start3A_18, %dma_start3A_19] : memref<32x78x128xi32, #tpu.memory_space<hbm>> -> memref<1x78x128xi32, #tpu.memory_space<hbm>>
      %dma_start3A_21 = tpu.memref_squeeze %dma_start3A_20 : memref<1x78x128xi32, #tpu.memory_space<hbm>> -> memref<78x128xi32, #tpu.memory_space<hbm>>
      tpu.enqueue_dma source(%dma_start3A_21 : memref<78x128xi32, #tpu.memory_space<hbm>>) target(%arg7 : memref<78x128xi32, #tpu.memory_space<vmem>>) target_semaphore(%run_scoped3A : memref<!tpu.dma_semaphore, #tpu.memory_space<semaphore_mem>>)
      %dma_wait3A = arith.constant 0 : i32
      %dma_wait3A_22 = arith.constant 0 : i32
      %dma_wait3A_23 = tpu.memref_slice %arg2[%add3A, %dma_wait3A, %dma_wait3A_22] : memref<32x78x128xi32, #tpu.memory_space<hbm>> -> memref<1x78x128xi32, #tpu.memory_space<hbm>>
      %dma_wait3A_24 = tpu.memref_squeeze %dma_wait3A_23 : memref<1x78x128xi32, #tpu.memory_space<hbm>> -> memref<78x128xi32, #tpu.memory_space<hbm>>
      %dma_wait3A_25 = arith.constant 0 : i32
      %dma_wait3A_26 = arith.constant 0 : i32
      %dma_wait3A_27 = tpu.memref_slice %arg2[%add3A, %dma_wait3A_25, %dma_wait3A_26] : memref<32x78x128xi32, #tpu.memory_space<hbm>> -> memref<1x78x128xi32, #tpu.memory_space<hbm>>
      %dma_wait3A_28 = tpu.memref_squeeze %dma_wait3A_27 : memref<1x78x128xi32, #tpu.memory_space<hbm>> -> memref<78x128xi32, #tpu.memory_space<hbm>>
      tpu.wait_dma2 semaphore(%run_scoped3A : memref<!tpu.dma_semaphore, #tpu.memory_space<semaphore_mem>>) src(%dma_wait3A_28 : memref<78x128xi32, #tpu.memory_space<hbm>>) dst(%arg7 : memref<78x128xi32, #tpu.memory_space<vmem>>)
      tpu.yield
    }) : () -> ()
    "tpu.region"() ({
      %run_scoped3A = tpu.sem_alloc : memref<!tpu.dma_semaphore, #tpu.memory_space<semaphore_mem>>
      %dma_start3A = arith.constant 0 : i32
      %dma_start3A_15 = tpu.memref_slice %arg3[%add3A, %dma_start3A] : memref<32x16xi32, #tpu.memory_space<hbm>> -> memref<1x16xi32, #tpu.memory_space<hbm>>
      %dma_start3A_16 = tpu.memref_squeeze %dma_start3A_15 : memref<1x16xi32, #tpu.memory_space<hbm>> -> memref<16xi32, #tpu.memory_space<hbm>>
      %dma_start3A_17 = arith.constant 0 : i32
      %dma_start3A_18 = tpu.memref_slice %arg3[%add3A, %dma_start3A_17] : memref<32x16xi32, #tpu.memory_space<hbm>> -> memref<1x16xi32, #tpu.memory_space<hbm>>
      %dma_start3A_19 = tpu.memref_squeeze %dma_start3A_18 : memref<1x16xi32, #tpu.memory_space<hbm>> -> memref<16xi32, #tpu.memory_space<hbm>>
      tpu.enqueue_dma source(%dma_start3A_19 : memref<16xi32, #tpu.memory_space<hbm>>) target(%arg8 : memref<16xi32, #tpu.memory_space<vmem>>) target_semaphore(%run_scoped3A : memref<!tpu.dma_semaphore, #tpu.memory_space<semaphore_mem>>)
      %dma_wait3A = arith.constant 0 : i32
      %dma_wait3A_20 = tpu.memref_slice %arg3[%add3A, %dma_wait3A] : memref<32x16xi32, #tpu.memory_space<hbm>> -> memref<1x16xi32, #tpu.memory_space<hbm>>
      %dma_wait3A_21 = tpu.memref_squeeze %dma_wait3A_20 : memref<1x16xi32, #tpu.memory_space<hbm>> -> memref<16xi32, #tpu.memory_space<hbm>>
      %dma_wait3A_22 = arith.constant 0 : i32
      %dma_wait3A_23 = tpu.memref_slice %arg3[%add3A, %dma_wait3A_22] : memref<32x16xi32, #tpu.memory_space<hbm>> -> memref<1x16xi32, #tpu.memory_space<hbm>>
      %dma_wait3A_24 = tpu.memref_squeeze %dma_wait3A_23 : memref<1x16xi32, #tpu.memory_space<hbm>> -> memref<16xi32, #tpu.memory_space<hbm>>
      tpu.wait_dma2 semaphore(%run_scoped3A : memref<!tpu.dma_semaphore, #tpu.memory_space<semaphore_mem>>) src(%dma_wait3A_24 : memref<16xi32, #tpu.memory_space<hbm>>) dst(%arg8 : memref<16xi32, #tpu.memory_space<vmem>>)
      tpu.yield
    }) : () -> ()
    %barrier3A = arith.constant 0 : index
    tpu.barrier barrier_id(%barrier3A)
    %scan3A = arith.constant 0 : i32
    %scan3A_5 = arith.constant 0 : i32
    %scan3A_6 = arith.constant 78 : i32
    %scan3A_7 = arith.addi %scan3A_5, %scan3A_6 : i32
    %scan3A_8 = arith.constant 1 : i32
    scf.for %scan3A_15 = %scan3A_5 to %scan3A_7 step %scan3A_8  : i32 {
      "tpu.region"() ({
        %run_scoped3A = tpu.sem_alloc : memref<!tpu.dma_semaphore, #tpu.memory_space<semaphore_mem>>
        %dma_start3A = arith.constant 0 : i32
        %dma_start3A_16 = tpu.memref_slice %arg7[%scan3A_15, %dma_start3A] : memref<78x128xi32, #tpu.memory_space<vmem>> -> memref<1x128xi32, #tpu.memory_space<vmem>>
        %dma_start3A_17 = tpu.memref_squeeze %dma_start3A_16 : memref<1x128xi32, #tpu.memory_space<vmem>> -> memref<128xi32, #tpu.memory_space<vmem>>
        %dma_start3A_18 = arith.constant 0 : i32
        %dma_start3A_19 = tpu.memref_slice %arg6[%dma_start3A_18] : memref<10240xf32, #tpu.memory_space<vmem_shared>> -> memref<10240xf32, #tpu.memory_space<vmem_shared>>
        tpu.enqueue_indirect_dma source(%arg9 : memref<128xf32, #tpu.memory_space<vmem>>) target(%dma_start3A_19 : memref<10240xf32, #tpu.memory_space<vmem_shared>>) offsets(%dma_start3A_17 : memref<128xi32, #tpu.memory_space<vmem>>) semaphore(%run_scoped3A : memref<!tpu.dma_semaphore, #tpu.memory_space<semaphore_mem>>) {add = true}
        %dma_wait3A = arith.constant 0 : i32
        %dma_wait3A_20 = tpu.memref_slice %arg7[%scan3A_15, %dma_wait3A] : memref<78x128xi32, #tpu.memory_space<vmem>> -> memref<1x128xi32, #tpu.memory_space<vmem>>
        %dma_wait3A_21 = tpu.memref_squeeze %dma_wait3A_20 : memref<1x128xi32, #tpu.memory_space<vmem>> -> memref<128xi32, #tpu.memory_space<vmem>>
        %dma_wait3A_22 = arith.constant 0 : i32
        %dma_wait3A_23 = tpu.memref_slice %arg6[%dma_wait3A_22] : memref<10240xf32, #tpu.memory_space<vmem_shared>> -> memref<10240xf32, #tpu.memory_space<vmem_shared>>
        tpu.wait_indirect_dma semaphore(%run_scoped3A : memref<!tpu.dma_semaphore, #tpu.memory_space<semaphore_mem>>) src(%arg9 : memref<128xf32, #tpu.memory_space<vmem>>) dst(%dma_wait3A_23 : memref<10240xf32, #tpu.memory_space<vmem_shared>>)
        tpu.yield
      }) : () -> ()
    }
    %scan3A_9 = arith.constant 78 : i32
    "tpu.region"() ({
      %run_scoped3A = tpu.sem_alloc : memref<!tpu.dma_semaphore, #tpu.memory_space<semaphore_mem>>
      %dma_start3A = arith.constant 0 : i32
      %dma_start3A_15 = tpu.memref_slice %arg9[%dma_start3A] : memref<128xf32, #tpu.memory_space<vmem>> -> memref<16xf32, #tpu.memory_space<vmem>>
      %dma_start3A_16 = arith.constant 0 : i32
      %dma_start3A_17 = tpu.memref_slice %arg6[%dma_start3A_16] : memref<10240xf32, #tpu.memory_space<vmem_shared>> -> memref<10240xf32, #tpu.memory_space<vmem_shared>>
      tpu.enqueue_indirect_dma source(%dma_start3A_15 : memref<16xf32, #tpu.memory_space<vmem>>) target(%dma_start3A_17 : memref<10240xf32, #tpu.memory_space<vmem_shared>>) offsets(%arg8 : memref<16xi32, #tpu.memory_space<vmem>>) semaphore(%run_scoped3A : memref<!tpu.dma_semaphore, #tpu.memory_space<semaphore_mem>>) {add = true}
      %dma_wait3A = arith.constant 0 : i32
      %dma_wait3A_18 = tpu.memref_slice %arg9[%dma_wait3A] : memref<128xf32, #tpu.memory_space<vmem>> -> memref<16xf32, #tpu.memory_space<vmem>>
      %dma_wait3A_19 = arith.constant 0 : i32
      %dma_wait3A_20 = tpu.memref_slice %arg6[%dma_wait3A_19] : memref<10240xf32, #tpu.memory_space<vmem_shared>> -> memref<10240xf32, #tpu.memory_space<vmem_shared>>
      tpu.wait_indirect_dma semaphore(%run_scoped3A : memref<!tpu.dma_semaphore, #tpu.memory_space<semaphore_mem>>) src(%dma_wait3A_18 : memref<16xf32, #tpu.memory_space<vmem>>) dst(%dma_wait3A_20 : memref<10240xf32, #tpu.memory_space<vmem_shared>>)
      tpu.yield
    }) : () -> ()
    %barrier3A_10 = arith.constant 0 : index
    tpu.barrier barrier_id(%barrier3A_10)
    %mul3A_11 = arith.constant 640 : i32
    %mul3A_12 = arith.muli %arg1, %mul3A_11 : i32
    %mul3A_13 = arith.constant 640 : i32
    %mul3A_14 = arith.muli %arg1, %mul3A_13 : i32
    "tpu.region"() ({
      %run_scoped3A = tpu.sem_alloc : memref<!tpu.dma_semaphore, #tpu.memory_space<semaphore_mem>>
      %dma_start3A = tpu.memref_slice %arg5[%arg0, %mul3A_14] : memref<2x10240xf32, #tpu.memory_space<hbm>> -> memref<1x640xf32, #tpu.memory_space<hbm>>
      %dma_start3A_15 = tpu.memref_squeeze %dma_start3A : memref<1x640xf32, #tpu.memory_space<hbm>> -> memref<640xf32, #tpu.memory_space<hbm>>
      %dma_start3A_16 = tpu.memref_slice %arg6[%mul3A_12] : memref<10240xf32, #tpu.memory_space<vmem_shared>> -> memref<640xf32, #tpu.memory_space<vmem_shared>>
      tpu.enqueue_dma source(%dma_start3A_16 : memref<640xf32, #tpu.memory_space<vmem_shared>>) target(%dma_start3A_15 : memref<640xf32, #tpu.memory_space<hbm>>) target_semaphore(%run_scoped3A : memref<!tpu.dma_semaphore, #tpu.memory_space<semaphore_mem>>)
      %dma_wait3A = tpu.memref_slice %arg5[%arg0, %mul3A_14] : memref<2x10240xf32, #tpu.memory_space<hbm>> -> memref<1x640xf32, #tpu.memory_space<hbm>>
      %dma_wait3A_17 = tpu.memref_squeeze %dma_wait3A : memref<1x640xf32, #tpu.memory_space<hbm>> -> memref<640xf32, #tpu.memory_space<hbm>>
      %dma_wait3A_18 = tpu.memref_slice %arg6[%mul3A_12] : memref<10240xf32, #tpu.memory_space<vmem_shared>> -> memref<640xf32, #tpu.memory_space<vmem_shared>>
      tpu.wait_dma2 semaphore(%run_scoped3A : memref<!tpu.dma_semaphore, #tpu.memory_space<semaphore_mem>>) src(%dma_wait3A_18 : memref<640xf32, #tpu.memory_space<vmem_shared>>) dst(%dma_wait3A_17 : memref<640xf32, #tpu.memory_space<hbm>>)
      tpu.yield
    }) : () -> ()
    return
  }
}

#map = affine_map<(d0, d1) -> (0, 0)>
#map1 = affine_map<(d0, d1) -> (0)>
#map2 = affine_map<(d0, d1) -> (0, 0, 0)>
module attributes {stable_mosaic.version = 14 : i64} {
  func.func @_agg_sc_body(%arg0: i32, %arg1: i32, %arg2: memref<10240x128xf32, #tpu.memory_space<hbm>>, %arg3: memref<320000xi32, #tpu.memory_space<hbm>>, %arg4: memref<32x16xi32, #tpu.memory_space<hbm>>, %arg5: memref<32x78x128xi32, #tpu.memory_space<hbm>>, %arg6: memref<32x16xi32, #tpu.memory_space<hbm>>, %arg7: memref<2x10240x128xf32, #tpu.memory_space<hbm>>, %arg8: memref<10240x128xf32, #tpu.memory_space<vmem_shared>>, %arg9: memref<512xi32, #tpu.memory_space<vmem>>, %arg10: memref<16xi32, #tpu.memory_space<vmem>>, %arg11: memref<78x128xi32, #tpu.memory_space<vmem>>, %arg12: memref<16xi32, #tpu.memory_space<vmem>>, %arg13: memref<2x128x128xf32, #tpu.memory_space<vmem>>, %arg14: memref<16x128xf32, #tpu.memory_space<vmem>>, %arg15: memref<2x!tpu.dma_semaphore, #tpu.memory_space<semaphore_mem>>, %arg16: memref<4x!tpu.dma_semaphore, #tpu.memory_space<semaphore_mem>>) attributes {dimension_semantics = [#tpu.dimension_semantics<core_parallel>, #tpu.dimension_semantics<subcore_parallel>], iteration_bounds = array<i64: 2, 16>, scalar_prefetch = 0 : i64, scratch_operands = 9 : i64, tpu.core_type = #tpu.core_type<sc_vector_subcore>, window_params = [{transform_indices = #map}, {transform_indices = #map1}, {transform_indices = #map}, {transform_indices = #map2}, {transform_indices = #map}, {transform_indices = #map2}]} {
    %mul3A = arith.constant 2 : i32
    %mul3A_0 = arith.muli %arg1, %mul3A : i32
    %add3A = arith.addi %mul3A_0, %arg0 : i32
    %mul3A_1 = arith.constant 640 : i32
    %mul3A_2 = arith.muli %arg1, %mul3A_1 : i32
    %mul3A_3 = arith.constant 640 : i32
    %mul3A_4 = arith.muli %arg1, %mul3A_3 : i32
    "tpu.region"() ({
      %run_scoped3A = tpu.sem_alloc : memref<!tpu.dma_semaphore, #tpu.memory_space<semaphore_mem>>
      %dma_start3A_125 = arith.constant 0 : i32
      %dma_start3A_126 = tpu.memref_slice %arg8[%mul3A_4, %dma_start3A_125] : memref<10240x128xf32, #tpu.memory_space<vmem_shared>> -> memref<640x128xf32, #tpu.memory_space<vmem_shared>>
      %dma_start3A_127 = arith.constant 0 : i32
      %dma_start3A_128 = tpu.memref_slice %arg2[%mul3A_2, %dma_start3A_127] : memref<10240x128xf32, #tpu.memory_space<hbm>> -> memref<640x128xf32, #tpu.memory_space<hbm>>
      tpu.enqueue_dma source(%dma_start3A_128 : memref<640x128xf32, #tpu.memory_space<hbm>>) target(%dma_start3A_126 : memref<640x128xf32, #tpu.memory_space<vmem_shared>>) target_semaphore(%run_scoped3A : memref<!tpu.dma_semaphore, #tpu.memory_space<semaphore_mem>>)
      %dma_wait3A_129 = arith.constant 0 : i32
      %dma_wait3A_130 = tpu.memref_slice %arg8[%mul3A_4, %dma_wait3A_129] : memref<10240x128xf32, #tpu.memory_space<vmem_shared>> -> memref<640x128xf32, #tpu.memory_space<vmem_shared>>
      %dma_wait3A_131 = arith.constant 0 : i32
      %dma_wait3A_132 = tpu.memref_slice %arg2[%mul3A_2, %dma_wait3A_131] : memref<10240x128xf32, #tpu.memory_space<hbm>> -> memref<640x128xf32, #tpu.memory_space<hbm>>
      tpu.wait_dma2 semaphore(%run_scoped3A : memref<!tpu.dma_semaphore, #tpu.memory_space<semaphore_mem>>) src(%dma_wait3A_132 : memref<640x128xf32, #tpu.memory_space<hbm>>) dst(%dma_wait3A_130 : memref<640x128xf32, #tpu.memory_space<vmem_shared>>)
      tpu.yield
    }) : () -> ()
    "tpu.region"() ({
      %run_scoped3A = tpu.sem_alloc : memref<!tpu.dma_semaphore, #tpu.memory_space<semaphore_mem>>
      %dma_start3A_125 = arith.constant 0 : i32
      %dma_start3A_126 = arith.constant 0 : i32
      %dma_start3A_127 = tpu.memref_slice %arg5[%add3A, %dma_start3A_125, %dma_start3A_126] : memref<32x78x128xi32, #tpu.memory_space<hbm>> -> memref<1x78x128xi32, #tpu.memory_space<hbm>>
      %dma_start3A_128 = tpu.memref_squeeze %dma_start3A_127 : memref<1x78x128xi32, #tpu.memory_space<hbm>> -> memref<78x128xi32, #tpu.memory_space<hbm>>
      %dma_start3A_129 = arith.constant 0 : i32
      %dma_start3A_130 = arith.constant 0 : i32
      %dma_start3A_131 = tpu.memref_slice %arg5[%add3A, %dma_start3A_129, %dma_start3A_130] : memref<32x78x128xi32, #tpu.memory_space<hbm>> -> memref<1x78x128xi32, #tpu.memory_space<hbm>>
      %dma_start3A_132 = tpu.memref_squeeze %dma_start3A_131 : memref<1x78x128xi32, #tpu.memory_space<hbm>> -> memref<78x128xi32, #tpu.memory_space<hbm>>
      tpu.enqueue_dma source(%dma_start3A_132 : memref<78x128xi32, #tpu.memory_space<hbm>>) target(%arg11 : memref<78x128xi32, #tpu.memory_space<vmem>>) target_semaphore(%run_scoped3A : memref<!tpu.dma_semaphore, #tpu.memory_space<semaphore_mem>>)
      %dma_wait3A_133 = arith.constant 0 : i32
      %dma_wait3A_134 = arith.constant 0 : i32
      %dma_wait3A_135 = tpu.memref_slice %arg5[%add3A, %dma_wait3A_133, %dma_wait3A_134] : memref<32x78x128xi32, #tpu.memory_space<hbm>> -> memref<1x78x128xi32, #tpu.memory_space<hbm>>
      %dma_wait3A_136 = tpu.memref_squeeze %dma_wait3A_135 : memref<1x78x128xi32, #tpu.memory_space<hbm>> -> memref<78x128xi32, #tpu.memory_space<hbm>>
      %dma_wait3A_137 = arith.constant 0 : i32
      %dma_wait3A_138 = arith.constant 0 : i32
      %dma_wait3A_139 = tpu.memref_slice %arg5[%add3A, %dma_wait3A_137, %dma_wait3A_138] : memref<32x78x128xi32, #tpu.memory_space<hbm>> -> memref<1x78x128xi32, #tpu.memory_space<hbm>>
      %dma_wait3A_140 = tpu.memref_squeeze %dma_wait3A_139 : memref<1x78x128xi32, #tpu.memory_space<hbm>> -> memref<78x128xi32, #tpu.memory_space<hbm>>
      tpu.wait_dma2 semaphore(%run_scoped3A : memref<!tpu.dma_semaphore, #tpu.memory_space<semaphore_mem>>) src(%dma_wait3A_140 : memref<78x128xi32, #tpu.memory_space<hbm>>) dst(%arg11 : memref<78x128xi32, #tpu.memory_space<vmem>>)
      tpu.yield
    }) : () -> ()
    "tpu.region"() ({
      %run_scoped3A = tpu.sem_alloc : memref<!tpu.dma_semaphore, #tpu.memory_space<semaphore_mem>>
      %dma_start3A_125 = arith.constant 0 : i32
      %dma_start3A_126 = tpu.memref_slice %arg6[%add3A, %dma_start3A_125] : memref<32x16xi32, #tpu.memory_space<hbm>> -> memref<1x16xi32, #tpu.memory_space<hbm>>
      %dma_start3A_127 = tpu.memref_squeeze %dma_start3A_126 : memref<1x16xi32, #tpu.memory_space<hbm>> -> memref<16xi32, #tpu.memory_space<hbm>>
      %dma_start3A_128 = arith.constant 0 : i32
      %dma_start3A_129 = tpu.memref_slice %arg6[%add3A, %dma_start3A_128] : memref<32x16xi32, #tpu.memory_space<hbm>> -> memref<1x16xi32, #tpu.memory_space<hbm>>
      %dma_start3A_130 = tpu.memref_squeeze %dma_start3A_129 : memref<1x16xi32, #tpu.memory_space<hbm>> -> memref<16xi32, #tpu.memory_space<hbm>>
      tpu.enqueue_dma source(%dma_start3A_130 : memref<16xi32, #tpu.memory_space<hbm>>) target(%arg12 : memref<16xi32, #tpu.memory_space<vmem>>) target_semaphore(%run_scoped3A : memref<!tpu.dma_semaphore, #tpu.memory_space<semaphore_mem>>)
      %dma_wait3A_131 = arith.constant 0 : i32
      %dma_wait3A_132 = tpu.memref_slice %arg6[%add3A, %dma_wait3A_131] : memref<32x16xi32, #tpu.memory_space<hbm>> -> memref<1x16xi32, #tpu.memory_space<hbm>>
      %dma_wait3A_133 = tpu.memref_squeeze %dma_wait3A_132 : memref<1x16xi32, #tpu.memory_space<hbm>> -> memref<16xi32, #tpu.memory_space<hbm>>
      %dma_wait3A_134 = arith.constant 0 : i32
      %dma_wait3A_135 = tpu.memref_slice %arg6[%add3A, %dma_wait3A_134] : memref<32x16xi32, #tpu.memory_space<hbm>> -> memref<1x16xi32, #tpu.memory_space<hbm>>
      %dma_wait3A_136 = tpu.memref_squeeze %dma_wait3A_135 : memref<1x16xi32, #tpu.memory_space<hbm>> -> memref<16xi32, #tpu.memory_space<hbm>>
      tpu.wait_dma2 semaphore(%run_scoped3A : memref<!tpu.dma_semaphore, #tpu.memory_space<semaphore_mem>>) src(%dma_wait3A_136 : memref<16xi32, #tpu.memory_space<hbm>>) dst(%arg12 : memref<16xi32, #tpu.memory_space<vmem>>)
      tpu.yield
    }) : () -> ()
    "tpu.region"() ({
      %run_scoped3A = tpu.sem_alloc : memref<!tpu.dma_semaphore, #tpu.memory_space<semaphore_mem>>
      %dma_start3A_125 = arith.constant 0 : i32
      %dma_start3A_126 = tpu.memref_slice %arg4[%add3A, %dma_start3A_125] : memref<32x16xi32, #tpu.memory_space<hbm>> -> memref<1x16xi32, #tpu.memory_space<hbm>>
      %dma_start3A_127 = tpu.memref_squeeze %dma_start3A_126 : memref<1x16xi32, #tpu.memory_space<hbm>> -> memref<16xi32, #tpu.memory_space<hbm>>
      %dma_start3A_128 = arith.constant 0 : i32
      %dma_start3A_129 = tpu.memref_slice %arg4[%add3A, %dma_start3A_128] : memref<32x16xi32, #tpu.memory_space<hbm>> -> memref<1x16xi32, #tpu.memory_space<hbm>>
      %dma_start3A_130 = tpu.memref_squeeze %dma_start3A_129 : memref<1x16xi32, #tpu.memory_space<hbm>> -> memref<16xi32, #tpu.memory_space<hbm>>
      tpu.enqueue_dma source(%dma_start3A_130 : memref<16xi32, #tpu.memory_space<hbm>>) target(%arg10 : memref<16xi32, #tpu.memory_space<vmem>>) target_semaphore(%run_scoped3A : memref<!tpu.dma_semaphore, #tpu.memory_space<semaphore_mem>>)
      %dma_wait3A_131 = arith.constant 0 : i32
      %dma_wait3A_132 = tpu.memref_slice %arg4[%add3A, %dma_wait3A_131] : memref<32x16xi32, #tpu.memory_space<hbm>> -> memref<1x16xi32, #tpu.memory_space<hbm>>
      %dma_wait3A_133 = tpu.memref_squeeze %dma_wait3A_132 : memref<1x16xi32, #tpu.memory_space<hbm>> -> memref<16xi32, #tpu.memory_space<hbm>>
      %dma_wait3A_134 = arith.constant 0 : i32
      %dma_wait3A_135 = tpu.memref_slice %arg4[%add3A, %dma_wait3A_134] : memref<32x16xi32, #tpu.memory_space<hbm>> -> memref<1x16xi32, #tpu.memory_space<hbm>>
      %dma_wait3A_136 = tpu.memref_squeeze %dma_wait3A_135 : memref<1x16xi32, #tpu.memory_space<hbm>> -> memref<16xi32, #tpu.memory_space<hbm>>
      tpu.wait_dma2 semaphore(%run_scoped3A : memref<!tpu.dma_semaphore, #tpu.memory_space<semaphore_mem>>) src(%dma_wait3A_136 : memref<16xi32, #tpu.memory_space<hbm>>) dst(%arg10 : memref<16xi32, #tpu.memory_space<vmem>>)
      tpu.yield
    }) : () -> ()
    %mul3A_5 = arith.constant 10000 : i32
    %mul3A_6 = arith.muli %add3A, %mul3A_5 : i32
    %add3A_7 = arith.constant 0 : i32
    %add3A_8 = arith.addi %mul3A_6, %add3A_7 : i32
    %dma_start3A = arith.constant 0 : i32
    %dma_start3A_9 = arith.constant 0 : i32
    %dma_start3A_10 = tpu.memref_slice %arg9[%dma_start3A_9] : memref<512xi32, #tpu.memory_space<vmem>> -> memref<128xi32, #tpu.memory_space<vmem>>
    %dma_start3A_11 = tpu.memref_slice %arg3[%add3A_8] : memref<320000xi32, #tpu.memory_space<hbm>> -> memref<128xi32, #tpu.memory_space<hbm>>
    %dma_start3A_12 = tpu.memref_slice %arg16[%dma_start3A] : memref<4x!tpu.dma_semaphore, #tpu.memory_space<semaphore_mem>> -> memref<1x!tpu.dma_semaphore, #tpu.memory_space<semaphore_mem>>
    %dma_start3A_13 = tpu.memref_squeeze %dma_start3A_12 : memref<1x!tpu.dma_semaphore, #tpu.memory_space<semaphore_mem>> -> memref<!tpu.dma_semaphore, #tpu.memory_space<semaphore_mem>>
    %dma_start3A_14 = arith.constant 0 : i32
    %dma_start3A_15 = tpu.memref_slice %arg9[%dma_start3A_14] : memref<512xi32, #tpu.memory_space<vmem>> -> memref<128xi32, #tpu.memory_space<vmem>>
    %dma_start3A_16 = tpu.memref_slice %arg3[%add3A_8] : memref<320000xi32, #tpu.memory_space<hbm>> -> memref<128xi32, #tpu.memory_space<hbm>>
    tpu.enqueue_dma source(%dma_start3A_16 : memref<128xi32, #tpu.memory_space<hbm>>) target(%dma_start3A_15 : memref<128xi32, #tpu.memory_space<vmem>>) target_semaphore(%dma_start3A_13 : memref<!tpu.dma_semaphore, #tpu.memory_space<semaphore_mem>>)
    %mul3A_17 = arith.constant 10000 : i32
    %mul3A_18 = arith.muli %add3A, %mul3A_17 : i32
    %add3A_19 = arith.constant 128 : i32
    %add3A_20 = arith.addi %mul3A_18, %add3A_19 : i32
    %dma_start3A_21 = arith.constant 1 : i32
    %dma_start3A_22 = arith.constant 128 : i32
    %dma_start3A_23 = tpu.memref_slice %arg9[%dma_start3A_22] : memref<512xi32, #tpu.memory_space<vmem>> -> memref<128xi32, #tpu.memory_space<vmem>>
    %dma_start3A_24 = tpu.memref_slice %arg3[%add3A_20] : memref<320000xi32, #tpu.memory_space<hbm>> -> memref<128xi32, #tpu.memory_space<hbm>>
    %dma_start3A_25 = tpu.memref_slice %arg16[%dma_start3A_21] : memref<4x!tpu.dma_semaphore, #tpu.memory_space<semaphore_mem>> -> memref<1x!tpu.dma_semaphore, #tpu.memory_space<semaphore_mem>>
    %dma_start3A_26 = tpu.memref_squeeze %dma_start3A_25 : memref<1x!tpu.dma_semaphore, #tpu.memory_space<semaphore_mem>> -> memref<!tpu.dma_semaphore, #tpu.memory_space<semaphore_mem>>
    %dma_start3A_27 = arith.constant 128 : i32
    %dma_start3A_28 = tpu.memref_slice %arg9[%dma_start3A_27] : memref<512xi32, #tpu.memory_space<vmem>> -> memref<128xi32, #tpu.memory_space<vmem>>
    %dma_start3A_29 = tpu.memref_slice %arg3[%add3A_20] : memref<320000xi32, #tpu.memory_space<hbm>> -> memref<128xi32, #tpu.memory_space<hbm>>
    tpu.enqueue_dma source(%dma_start3A_29 : memref<128xi32, #tpu.memory_space<hbm>>) target(%dma_start3A_28 : memref<128xi32, #tpu.memory_space<vmem>>) target_semaphore(%dma_start3A_26 : memref<!tpu.dma_semaphore, #tpu.memory_space<semaphore_mem>>)
    %mul3A_30 = arith.constant 10000 : i32
    %mul3A_31 = arith.muli %add3A, %mul3A_30 : i32
    %add3A_32 = arith.constant 256 : i32
    %add3A_33 = arith.addi %mul3A_31, %add3A_32 : i32
    %dma_start3A_34 = arith.constant 2 : i32
    %dma_start3A_35 = arith.constant 256 : i32
    %dma_start3A_36 = tpu.memref_slice %arg9[%dma_start3A_35] : memref<512xi32, #tpu.memory_space<vmem>> -> memref<128xi32, #tpu.memory_space<vmem>>
    %dma_start3A_37 = tpu.memref_slice %arg3[%add3A_33] : memref<320000xi32, #tpu.memory_space<hbm>> -> memref<128xi32, #tpu.memory_space<hbm>>
    %dma_start3A_38 = tpu.memref_slice %arg16[%dma_start3A_34] : memref<4x!tpu.dma_semaphore, #tpu.memory_space<semaphore_mem>> -> memref<1x!tpu.dma_semaphore, #tpu.memory_space<semaphore_mem>>
    %dma_start3A_39 = tpu.memref_squeeze %dma_start3A_38 : memref<1x!tpu.dma_semaphore, #tpu.memory_space<semaphore_mem>> -> memref<!tpu.dma_semaphore, #tpu.memory_space<semaphore_mem>>
    %dma_start3A_40 = arith.constant 256 : i32
    %dma_start3A_41 = tpu.memref_slice %arg9[%dma_start3A_40] : memref<512xi32, #tpu.memory_space<vmem>> -> memref<128xi32, #tpu.memory_space<vmem>>
    %dma_start3A_42 = tpu.memref_slice %arg3[%add3A_33] : memref<320000xi32, #tpu.memory_space<hbm>> -> memref<128xi32, #tpu.memory_space<hbm>>
    tpu.enqueue_dma source(%dma_start3A_42 : memref<128xi32, #tpu.memory_space<hbm>>) target(%dma_start3A_41 : memref<128xi32, #tpu.memory_space<vmem>>) target_semaphore(%dma_start3A_39 : memref<!tpu.dma_semaphore, #tpu.memory_space<semaphore_mem>>)
    %mul3A_43 = arith.constant 10000 : i32
    %mul3A_44 = arith.muli %add3A, %mul3A_43 : i32
    %add3A_45 = arith.constant 384 : i32
    %add3A_46 = arith.addi %mul3A_44, %add3A_45 : i32
    %dma_start3A_47 = arith.constant 3 : i32
    %dma_start3A_48 = arith.constant 384 : i32
    %dma_start3A_49 = tpu.memref_slice %arg9[%dma_start3A_48] : memref<512xi32, #tpu.memory_space<vmem>> -> memref<128xi32, #tpu.memory_space<vmem>>
    %dma_start3A_50 = tpu.memref_slice %arg3[%add3A_46] : memref<320000xi32, #tpu.memory_space<hbm>> -> memref<128xi32, #tpu.memory_space<hbm>>
    %dma_start3A_51 = tpu.memref_slice %arg16[%dma_start3A_47] : memref<4x!tpu.dma_semaphore, #tpu.memory_space<semaphore_mem>> -> memref<1x!tpu.dma_semaphore, #tpu.memory_space<semaphore_mem>>
    %dma_start3A_52 = tpu.memref_squeeze %dma_start3A_51 : memref<1x!tpu.dma_semaphore, #tpu.memory_space<semaphore_mem>> -> memref<!tpu.dma_semaphore, #tpu.memory_space<semaphore_mem>>
    %dma_start3A_53 = arith.constant 384 : i32
    %dma_start3A_54 = tpu.memref_slice %arg9[%dma_start3A_53] : memref<512xi32, #tpu.memory_space<vmem>> -> memref<128xi32, #tpu.memory_space<vmem>>
    %dma_start3A_55 = tpu.memref_slice %arg3[%add3A_46] : memref<320000xi32, #tpu.memory_space<hbm>> -> memref<128xi32, #tpu.memory_space<hbm>>
    tpu.enqueue_dma source(%dma_start3A_55 : memref<128xi32, #tpu.memory_space<hbm>>) target(%dma_start3A_54 : memref<128xi32, #tpu.memory_space<vmem>>) target_semaphore(%dma_start3A_52 : memref<!tpu.dma_semaphore, #tpu.memory_space<semaphore_mem>>)
    %barrier3A = arith.constant 0 : index
    tpu.barrier barrier_id(%barrier3A)
    %dma_wait3A = arith.constant 0 : i32
    %dma_wait3A_56 = arith.constant 0 : i32
    %dma_wait3A_57 = tpu.memref_slice %arg9[%dma_wait3A_56] : memref<512xi32, #tpu.memory_space<vmem>> -> memref<128xi32, #tpu.memory_space<vmem>>
    %dma_wait3A_58 = arith.constant 0 : i32
    %dma_wait3A_59 = tpu.memref_slice %arg3[%dma_wait3A_58] : memref<320000xi32, #tpu.memory_space<hbm>> -> memref<128xi32, #tpu.memory_space<hbm>>
    %dma_wait3A_60 = tpu.memref_slice %arg16[%dma_wait3A] : memref<4x!tpu.dma_semaphore, #tpu.memory_space<semaphore_mem>> -> memref<1x!tpu.dma_semaphore, #tpu.memory_space<semaphore_mem>>
    %dma_wait3A_61 = tpu.memref_squeeze %dma_wait3A_60 : memref<1x!tpu.dma_semaphore, #tpu.memory_space<semaphore_mem>> -> memref<!tpu.dma_semaphore, #tpu.memory_space<semaphore_mem>>
    %dma_wait3A_62 = arith.constant 0 : i32
    %dma_wait3A_63 = tpu.memref_slice %arg9[%dma_wait3A_62] : memref<512xi32, #tpu.memory_space<vmem>> -> memref<128xi32, #tpu.memory_space<vmem>>
    %dma_wait3A_64 = arith.constant 0 : i32
    %dma_wait3A_65 = tpu.memref_slice %arg3[%dma_wait3A_64] : memref<320000xi32, #tpu.memory_space<hbm>> -> memref<128xi32, #tpu.memory_space<hbm>>
    tpu.wait_dma2 semaphore(%dma_wait3A_61 : memref<!tpu.dma_semaphore, #tpu.memory_space<semaphore_mem>>) src(%dma_wait3A_65 : memref<128xi32, #tpu.memory_space<hbm>>) dst(%dma_wait3A_63 : memref<128xi32, #tpu.memory_space<vmem>>)
    %dma_start3A_66 = arith.constant 0 : i32
    %dma_start3A_67 = arith.constant 0 : i32
    %dma_start3A_68 = arith.constant 0 : i32
    %dma_start3A_69 = arith.constant 0 : i32
    %dma_start3A_70 = tpu.memref_slice %arg13[%dma_start3A_66, %dma_start3A_68, %dma_start3A_69] : memref<2x128x128xf32, #tpu.memory_space<vmem>> -> memref<1x128x128xf32, #tpu.memory_space<vmem>>
    %dma_start3A_71 = tpu.memref_squeeze %dma_start3A_70 : memref<1x128x128xf32, #tpu.memory_space<vmem>> -> memref<128x128xf32, #tpu.memory_space<vmem>>
    %dma_start3A_72 = arith.constant 0 : i32
    %dma_start3A_73 = tpu.memref_slice %arg9[%dma_start3A_72] : memref<512xi32, #tpu.memory_space<vmem>> -> memref<128xi32, #tpu.memory_space<vmem>>
    %dma_start3A_74 = arith.constant 0 : i32
    %dma_start3A_75 = arith.constant 0 : i32
    %dma_start3A_76 = tpu.memref_slice %arg2[%dma_start3A_74, %dma_start3A_75] : memref<10240x128xf32, #tpu.memory_space<hbm>> -> memref<10240x128xf32, #tpu.memory_space<hbm>>
    %dma_start3A_77 = tpu.memref_slice %arg15[%dma_start3A_67] : memref<2x!tpu.dma_semaphore, #tpu.memory_space<semaphore_mem>> -> memref<1x!tpu.dma_semaphore, #tpu.memory_space<semaphore_mem>>
    %dma_start3A_78 = tpu.memref_squeeze %dma_start3A_77 : memref<1x!tpu.dma_semaphore, #tpu.memory_space<semaphore_mem>> -> memref<!tpu.dma_semaphore, #tpu.memory_space<semaphore_mem>>
    tpu.enqueue_indirect_dma source(%dma_start3A_76 : memref<10240x128xf32, #tpu.memory_space<hbm>>) target(%dma_start3A_71 : memref<128x128xf32, #tpu.memory_space<vmem>>) offsets(%dma_start3A_73 : memref<128xi32, #tpu.memory_space<vmem>>) semaphore(%dma_start3A_78 : memref<!tpu.dma_semaphore, #tpu.memory_space<semaphore_mem>>)
    %dma_wait3A_79 = arith.constant 1 : i32
    %dma_wait3A_80 = arith.constant 128 : i32
    %dma_wait3A_81 = tpu.memref_slice %arg9[%dma_wait3A_80] : memref<512xi32, #tpu.memory_space<vmem>> -> memref<128xi32, #tpu.memory_space<vmem>>
    %dma_wait3A_82 = arith.constant 0 : i32
    %dma_wait3A_83 = tpu.memref_slice %arg3[%dma_wait3A_82] : memref<320000xi32, #tpu.memory_space<hbm>> -> memref<128xi32, #tpu.memory_space<hbm>>
    %dma_wait3A_84 = tpu.memref_slice %arg16[%dma_wait3A_79] : memref<4x!tpu.dma_semaphore, #tpu.memory_space<semaphore_mem>> -> memref<1x!tpu.dma_semaphore, #tpu.memory_space<semaphore_mem>>
    %dma_wait3A_85 = tpu.memref_squeeze %dma_wait3A_84 : memref<1x!tpu.dma_semaphore, #tpu.memory_space<semaphore_mem>> -> memref<!tpu.dma_semaphore, #tpu.memory_space<semaphore_mem>>
    %dma_wait3A_86 = arith.constant 128 : i32
    %dma_wait3A_87 = tpu.memref_slice %arg9[%dma_wait3A_86] : memref<512xi32, #tpu.memory_space<vmem>> -> memref<128xi32, #tpu.memory_space<vmem>>
    %dma_wait3A_88 = arith.constant 0 : i32
    %dma_wait3A_89 = tpu.memref_slice %arg3[%dma_wait3A_88] : memref<320000xi32, #tpu.memory_space<hbm>> -> memref<128xi32, #tpu.memory_space<hbm>>
    tpu.wait_dma2 semaphore(%dma_wait3A_85 : memref<!tpu.dma_semaphore, #tpu.memory_space<semaphore_mem>>) src(%dma_wait3A_89 : memref<128xi32, #tpu.memory_space<hbm>>) dst(%dma_wait3A_87 : memref<128xi32, #tpu.memory_space<vmem>>)
    %dma_start3A_90 = arith.constant 1 : i32
    %dma_start3A_91 = arith.constant 1 : i32
    %dma_start3A_92 = arith.constant 0 : i32
    %dma_start3A_93 = arith.constant 0 : i32
    %dma_start3A_94 = tpu.memref_slice %arg13[%dma_start3A_90, %dma_start3A_92, %dma_start3A_93] : memref<2x128x128xf32, #tpu.memory_space<vmem>> -> memref<1x128x128xf32, #tpu.memory_space<vmem>>
    %dma_start3A_95 = tpu.memref_squeeze %dma_start3A_94 : memref<1x128x128xf32, #tpu.memory_space<vmem>> -> memref<128x128xf32, #tpu.memory_space<vmem>>
    %dma_start3A_96 = arith.constant 128 : i32
    %dma_start3A_97 = tpu.memref_slice %arg9[%dma_start3A_96] : memref<512xi32, #tpu.memory_space<vmem>> -> memref<128xi32, #tpu.memory_space<vmem>>
    %dma_start3A_98 = arith.constant 0 : i32
    %dma_start3A_99 = arith.constant 0 : i32
    %dma_start3A_100 = tpu.memref_slice %arg2[%dma_start3A_98, %dma_start3A_99] : memref<10240x128xf32, #tpu.memory_space<hbm>> -> memref<10240x128xf32, #tpu.memory_space<hbm>>
    %dma_start3A_101 = tpu.memref_slice %arg15[%dma_start3A_91] : memref<2x!tpu.dma_semaphore, #tpu.memory_space<semaphore_mem>> -> memref<1x!tpu.dma_semaphore, #tpu.memory_space<semaphore_mem>>
    %dma_start3A_102 = tpu.memref_squeeze %dma_start3A_101 : memref<1x!tpu.dma_semaphore, #tpu.memory_space<semaphore_mem>> -> memref<!tpu.dma_semaphore, #tpu.memory_space<semaphore_mem>>
    tpu.enqueue_indirect_dma source(%dma_start3A_100 : memref<10240x128xf32, #tpu.memory_space<hbm>>) target(%dma_start3A_95 : memref<128x128xf32, #tpu.memory_space<vmem>>) offsets(%dma_start3A_97 : memref<128xi32, #tpu.memory_space<vmem>>) semaphore(%dma_start3A_102 : memref<!tpu.dma_semaphore, #tpu.memory_space<semaphore_mem>>)
    %scan3A = arith.constant 0 : i32
    %scan3A_103 = arith.constant 0 : i32
    %scan3A_104 = arith.constant 78 : i32
    %scan3A_105 = arith.addi %scan3A_103, %scan3A_104 : i32
    %scan3A_106 = arith.constant 1 : i32
    scf.for %scan3A_125 = %scan3A_103 to %scan3A_105 step %scan3A_106  : i32 {
      %rem3A = arith.constant 2 : i32
      %rem3A_126 = arith.remsi %scan3A_125, %rem3A : i32
      %dma_wait3A_127 = arith.constant 0 : i32
      %dma_wait3A_128 = arith.constant 0 : i32
      %dma_wait3A_129 = tpu.memref_slice %arg13[%rem3A_126, %dma_wait3A_127, %dma_wait3A_128] : memref<2x128x128xf32, #tpu.memory_space<vmem>> -> memref<1x128x128xf32, #tpu.memory_space<vmem>>
      %dma_wait3A_130 = tpu.memref_squeeze %dma_wait3A_129 : memref<1x128x128xf32, #tpu.memory_space<vmem>> -> memref<128x128xf32, #tpu.memory_space<vmem>>
      %dma_wait3A_131 = arith.constant 0 : i32
      %dma_wait3A_132 = arith.constant 0 : i32
      %dma_wait3A_133 = tpu.memref_slice %arg2[%dma_wait3A_131, %dma_wait3A_132] : memref<10240x128xf32, #tpu.memory_space<hbm>> -> memref<128x128xf32, #tpu.memory_space<hbm>>
      %dma_wait3A_134 = tpu.memref_slice %arg15[%rem3A_126] : memref<2x!tpu.dma_semaphore, #tpu.memory_space<semaphore_mem>> -> memref<1x!tpu.dma_semaphore, #tpu.memory_space<semaphore_mem>>
      %dma_wait3A_135 = tpu.memref_squeeze %dma_wait3A_134 : memref<1x!tpu.dma_semaphore, #tpu.memory_space<semaphore_mem>> -> memref<!tpu.dma_semaphore, #tpu.memory_space<semaphore_mem>>
      %dma_wait3A_136 = arith.constant 0 : i32
      %dma_wait3A_137 = arith.constant 0 : i32
      %dma_wait3A_138 = tpu.memref_slice %arg13[%rem3A_126, %dma_wait3A_136, %dma_wait3A_137] : memref<2x128x128xf32, #tpu.memory_space<vmem>> -> memref<1x128x128xf32, #tpu.memory_space<vmem>>
      %dma_wait3A_139 = tpu.memref_squeeze %dma_wait3A_138 : memref<1x128x128xf32, #tpu.memory_space<vmem>> -> memref<128x128xf32, #tpu.memory_space<vmem>>
      %dma_wait3A_140 = arith.constant 0 : i32
      %dma_wait3A_141 = arith.constant 0 : i32
      %dma_wait3A_142 = tpu.memref_slice %arg2[%dma_wait3A_140, %dma_wait3A_141] : memref<10240x128xf32, #tpu.memory_space<hbm>> -> memref<128x128xf32, #tpu.memory_space<hbm>>
      tpu.wait_dma2 semaphore(%dma_wait3A_135 : memref<!tpu.dma_semaphore, #tpu.memory_space<semaphore_mem>>) src(%dma_wait3A_142 : memref<128x128xf32, #tpu.memory_space<hbm>>) dst(%dma_wait3A_139 : memref<128x128xf32, #tpu.memory_space<vmem>>)
      "tpu.region"() ({
        %run_scoped3A = tpu.sem_alloc : memref<!tpu.dma_semaphore, #tpu.memory_space<semaphore_mem>>
        %dma_start3A_154 = arith.constant 0 : i32
        %dma_start3A_155 = arith.constant 0 : i32
        %dma_start3A_156 = tpu.memref_slice %arg13[%rem3A_126, %dma_start3A_154, %dma_start3A_155] : memref<2x128x128xf32, #tpu.memory_space<vmem>> -> memref<1x128x128xf32, #tpu.memory_space<vmem>>
        %dma_start3A_157 = tpu.memref_squeeze %dma_start3A_156 : memref<1x128x128xf32, #tpu.memory_space<vmem>> -> memref<128x128xf32, #tpu.memory_space<vmem>>
        %dma_start3A_158 = arith.constant 0 : i32
        %dma_start3A_159 = tpu.memref_slice %arg11[%scan3A_125, %dma_start3A_158] : memref<78x128xi32, #tpu.memory_space<vmem>> -> memref<1x128xi32, #tpu.memory_space<vmem>>
        %dma_start3A_160 = tpu.memref_squeeze %dma_start3A_159 : memref<1x128xi32, #tpu.memory_space<vmem>> -> memref<128xi32, #tpu.memory_space<vmem>>
        %dma_start3A_161 = arith.constant 0 : i32
        %dma_start3A_162 = arith.constant 0 : i32
        %dma_start3A_163 = tpu.memref_slice %arg8[%dma_start3A_161, %dma_start3A_162] : memref<10240x128xf32, #tpu.memory_space<vmem_shared>> -> memref<10240x128xf32, #tpu.memory_space<vmem_shared>>
        tpu.enqueue_indirect_dma source(%dma_start3A_157 : memref<128x128xf32, #tpu.memory_space<vmem>>) target(%dma_start3A_163 : memref<10240x128xf32, #tpu.memory_space<vmem_shared>>) offsets(%dma_start3A_160 : memref<128xi32, #tpu.memory_space<vmem>>) semaphore(%run_scoped3A : memref<!tpu.dma_semaphore, #tpu.memory_space<semaphore_mem>>) {add = true}
        %dma_wait3A_164 = arith.constant 0 : i32
        %dma_wait3A_165 = arith.constant 0 : i32
        %dma_wait3A_166 = tpu.memref_slice %arg13[%rem3A_126, %dma_wait3A_164, %dma_wait3A_165] : memref<2x128x128xf32, #tpu.memory_space<vmem>> -> memref<1x128x128xf32, #tpu.memory_space<vmem>>
        %dma_wait3A_167 = tpu.memref_squeeze %dma_wait3A_166 : memref<1x128x128xf32, #tpu.memory_space<vmem>> -> memref<128x128xf32, #tpu.memory_space<vmem>>
        %dma_wait3A_168 = arith.constant 0 : i32
        %dma_wait3A_169 = tpu.memref_slice %arg11[%scan3A_125, %dma_wait3A_168] : memref<78x128xi32, #tpu.memory_space<vmem>> -> memref<1x128xi32, #tpu.memory_space<vmem>>
        %dma_wait3A_170 = tpu.memref_squeeze %dma_wait3A_169 : memref<1x128xi32, #tpu.memory_space<vmem>> -> memref<128xi32, #tpu.memory_space<vmem>>
        %dma_wait3A_171 = arith.constant 0 : i32
        %dma_wait3A_172 = arith.constant 0 : i32
        %dma_wait3A_173 = tpu.memref_slice %arg8[%dma_wait3A_171, %dma_wait3A_172] : memref<10240x128xf32, #tpu.memory_space<vmem_shared>> -> memref<10240x128xf32, #tpu.memory_space<vmem_shared>>
        tpu.wait_indirect_dma semaphore(%run_scoped3A : memref<!tpu.dma_semaphore, #tpu.memory_space<semaphore_mem>>) src(%dma_wait3A_167 : memref<128x128xf32, #tpu.memory_space<vmem>>) dst(%dma_wait3A_173 : memref<10240x128xf32, #tpu.memory_space<vmem_shared>>)
        tpu.yield
      }) : () -> ()
      %add3A_143 = arith.constant 2 : i32
      %add3A_144 = arith.addi %scan3A_125, %add3A_143 : i32
      %lt3A = arith.constant 78 : i32
      %lt3A_145 = arith.cmpi slt, %add3A_144, %lt3A : i32
      %convert_element_type3A = arith.extui %lt3A_145 : i1 to i32
      %cond3A = arith.constant 0 : i32
      %cond3A_146 = arith.cmpi ne, %convert_element_type3A, %cond3A : i32
      scf.if %cond3A_146 {
        %add3A_154 = arith.constant 2 : i32
        %add3A_155 = arith.addi %scan3A_125, %add3A_154 : i32
        %rem3A_156 = arith.constant 4 : i32
        %rem3A_157 = arith.remsi %add3A_155, %rem3A_156 : i32
        %mul3A_158 = arith.constant 128 : i32
        %mul3A_159 = arith.muli %rem3A_157, %mul3A_158 : i32
        %dma_wait3A_160 = tpu.memref_slice %arg9[%mul3A_159] : memref<512xi32, #tpu.memory_space<vmem>> -> memref<128xi32, #tpu.memory_space<vmem>>
        %dma_wait3A_161 = arith.constant 0 : i32
        %dma_wait3A_162 = tpu.memref_slice %arg3[%dma_wait3A_161] : memref<320000xi32, #tpu.memory_space<hbm>> -> memref<128xi32, #tpu.memory_space<hbm>>
        %dma_wait3A_163 = tpu.memref_slice %arg16[%rem3A_157] : memref<4x!tpu.dma_semaphore, #tpu.memory_space<semaphore_mem>> -> memref<1x!tpu.dma_semaphore, #tpu.memory_space<semaphore_mem>>
        %dma_wait3A_164 = tpu.memref_squeeze %dma_wait3A_163 : memref<1x!tpu.dma_semaphore, #tpu.memory_space<semaphore_mem>> -> memref<!tpu.dma_semaphore, #tpu.memory_space<semaphore_mem>>
        %dma_wait3A_165 = tpu.memref_slice %arg9[%mul3A_159] : memref<512xi32, #tpu.memory_space<vmem>> -> memref<128xi32, #tpu.memory_space<vmem>>
        %dma_wait3A_166 = arith.constant 0 : i32
        %dma_wait3A_167 = tpu.memref_slice %arg3[%dma_wait3A_166] : memref<320000xi32, #tpu.memory_space<hbm>> -> memref<128xi32, #tpu.memory_space<hbm>>
        tpu.wait_dma2 semaphore(%dma_wait3A_164 : memref<!tpu.dma_semaphore, #tpu.memory_space<semaphore_mem>>) src(%dma_wait3A_167 : memref<128xi32, #tpu.memory_space<hbm>>) dst(%dma_wait3A_165 : memref<128xi32, #tpu.memory_space<vmem>>)
        %mul3A_168 = arith.constant 128 : i32
        %mul3A_169 = arith.muli %rem3A_157, %mul3A_168 : i32
        %dma_start3A_170 = arith.constant 0 : i32
        %dma_start3A_171 = arith.constant 0 : i32
        %dma_start3A_172 = tpu.memref_slice %arg13[%rem3A_126, %dma_start3A_170, %dma_start3A_171] : memref<2x128x128xf32, #tpu.memory_space<vmem>> -> memref<1x128x128xf32, #tpu.memory_space<vmem>>
        %dma_start3A_173 = tpu.memref_squeeze %dma_start3A_172 : memref<1x128x128xf32, #tpu.memory_space<vmem>> -> memref<128x128xf32, #tpu.memory_space<vmem>>
        %dma_start3A_174 = tpu.memref_slice %arg9[%mul3A_169] : memref<512xi32, #tpu.memory_space<vmem>> -> memref<128xi32, #tpu.memory_space<vmem>>
        %dma_start3A_175 = arith.constant 0 : i32
        %dma_start3A_176 = arith.constant 0 : i32
        %dma_start3A_177 = tpu.memref_slice %arg2[%dma_start3A_175, %dma_start3A_176] : memref<10240x128xf32, #tpu.memory_space<hbm>> -> memref<10240x128xf32, #tpu.memory_space<hbm>>
        %dma_start3A_178 = tpu.memref_slice %arg15[%rem3A_126] : memref<2x!tpu.dma_semaphore, #tpu.memory_space<semaphore_mem>> -> memref<1x!tpu.dma_semaphore, #tpu.memory_space<semaphore_mem>>
        %dma_start3A_179 = tpu.memref_squeeze %dma_start3A_178 : memref<1x!tpu.dma_semaphore, #tpu.memory_space<semaphore_mem>> -> memref<!tpu.dma_semaphore, #tpu.memory_space<semaphore_mem>>
        tpu.enqueue_indirect_dma source(%dma_start3A_177 : memref<10240x128xf32, #tpu.memory_space<hbm>>) target(%dma_start3A_173 : memref<128x128xf32, #tpu.memory_space<vmem>>) offsets(%dma_start3A_174 : memref<128xi32, #tpu.memory_space<vmem>>) semaphore(%dma_start3A_179 : memref<!tpu.dma_semaphore, #tpu.memory_space<semaphore_mem>>)
      } else {
      }
      %add3A_147 = arith.constant 4 : i32
      %add3A_148 = arith.addi %scan3A_125, %add3A_147 : i32
      %lt3A_149 = arith.constant 78 : i32
      %lt3A_150 = arith.cmpi slt, %add3A_148, %lt3A_149 : i32
      %convert_element_type3A_151 = arith.extui %lt3A_150 : i1 to i32
      %cond3A_152 = arith.constant 0 : i32
      %cond3A_153 = arith.cmpi ne, %convert_element_type3A_151, %cond3A_152 : i32
      scf.if %cond3A_153 {
        %add3A_154 = arith.constant 4 : i32
        %add3A_155 = arith.addi %scan3A_125, %add3A_154 : i32
        %rem3A_156 = arith.constant 4 : i32
        %rem3A_157 = arith.remsi %scan3A_125, %rem3A_156 : i32
        %mul3A_158 = arith.constant 10000 : i32
        %mul3A_159 = arith.muli %add3A, %mul3A_158 : i32
        %mul3A_160 = arith.constant 128 : i32
        %mul3A_161 = arith.muli %add3A_155, %mul3A_160 : i32
        %add3A_162 = arith.addi %mul3A_159, %mul3A_161 : i32
        %mul3A_163 = arith.constant 128 : i32
        %mul3A_164 = arith.muli %rem3A_157, %mul3A_163 : i32
        %dma_start3A_165 = tpu.memref_slice %arg9[%mul3A_164] : memref<512xi32, #tpu.memory_space<vmem>> -> memref<128xi32, #tpu.memory_space<vmem>>
        %dma_start3A_166 = tpu.memref_slice %arg3[%add3A_162] : memref<320000xi32, #tpu.memory_space<hbm>> -> memref<128xi32, #tpu.memory_space<hbm>>
        %dma_start3A_167 = tpu.memref_slice %arg16[%rem3A_157] : memref<4x!tpu.dma_semaphore, #tpu.memory_space<semaphore_mem>> -> memref<1x!tpu.dma_semaphore, #tpu.memory_space<semaphore_mem>>
        %dma_start3A_168 = tpu.memref_squeeze %dma_start3A_167 : memref<1x!tpu.dma_semaphore, #tpu.memory_space<semaphore_mem>> -> memref<!tpu.dma_semaphore, #tpu.memory_space<semaphore_mem>>
        %dma_start3A_169 = tpu.memref_slice %arg9[%mul3A_164] : memref<512xi32, #tpu.memory_space<vmem>> -> memref<128xi32, #tpu.memory_space<vmem>>
        %dma_start3A_170 = tpu.memref_slice %arg3[%add3A_162] : memref<320000xi32, #tpu.memory_space<hbm>> -> memref<128xi32, #tpu.memory_space<hbm>>
        tpu.enqueue_dma source(%dma_start3A_170 : memref<128xi32, #tpu.memory_space<hbm>>) target(%dma_start3A_169 : memref<128xi32, #tpu.memory_space<vmem>>) target_semaphore(%dma_start3A_168 : memref<!tpu.dma_semaphore, #tpu.memory_space<semaphore_mem>>)
      } else {
      }
    }
    %scan3A_107 = arith.constant 78 : i32
    %dma_start3A_108 = arith.constant 0 : i32
    %dma_start3A_109 = arith.constant 0 : i32
    %dma_start3A_110 = arith.constant 0 : i32
    %dma_start3A_111 = tpu.memref_slice %arg2[%dma_start3A_109, %dma_start3A_110] : memref<10240x128xf32, #tpu.memory_space<hbm>> -> memref<10240x128xf32, #tpu.memory_space<hbm>>
    %dma_start3A_112 = tpu.memref_slice %arg15[%dma_start3A_108] : memref<2x!tpu.dma_semaphore, #tpu.memory_space<semaphore_mem>> -> memref<1x!tpu.dma_semaphore, #tpu.memory_space<semaphore_mem>>
    %dma_start3A_113 = tpu.memref_squeeze %dma_start3A_112 : memref<1x!tpu.dma_semaphore, #tpu.memory_space<semaphore_mem>> -> memref<!tpu.dma_semaphore, #tpu.memory_space<semaphore_mem>>
    tpu.enqueue_indirect_dma source(%dma_start3A_111 : memref<10240x128xf32, #tpu.memory_space<hbm>>) target(%arg14 : memref<16x128xf32, #tpu.memory_space<vmem>>) offsets(%arg10 : memref<16xi32, #tpu.memory_space<vmem>>) semaphore(%dma_start3A_113 : memref<!tpu.dma_semaphore, #tpu.memory_space<semaphore_mem>>)
    %dma_wait3A_114 = arith.constant 0 : i32
    %dma_wait3A_115 = arith.constant 0 : i32
    %dma_wait3A_116 = arith.constant 0 : i32
    %dma_wait3A_117 = tpu.memref_slice %arg2[%dma_wait3A_115, %dma_wait3A_116] : memref<10240x128xf32, #tpu.memory_space<hbm>> -> memref<10240x128xf32, #tpu.memory_space<hbm>>
    %dma_wait3A_118 = tpu.memref_slice %arg15[%dma_wait3A_114] : memref<2x!tpu.dma_semaphore, #tpu.memory_space<semaphore_mem>> -> memref<1x!tpu.dma_semaphore, #tpu.memory_space<semaphore_mem>>
    %dma_wait3A_119 = tpu.memref_squeeze %dma_wait3A_118 : memref<1x!tpu.dma_semaphore, #tpu.memory_space<semaphore_mem>> -> memref<!tpu.dma_semaphore, #tpu.memory_space<semaphore_mem>>
    tpu.wait_indirect_dma semaphore(%dma_wait3A_119 : memref<!tpu.dma_semaphore, #tpu.memory_space<semaphore_mem>>) src(%dma_wait3A_117 : memref<10240x128xf32, #tpu.memory_space<hbm>>) dst(%arg14 : memref<16x128xf32, #tpu.memory_space<vmem>>)
    "tpu.region"() ({
      %run_scoped3A = tpu.sem_alloc : memref<!tpu.dma_semaphore, #tpu.memory_space<semaphore_mem>>
      %dma_start3A_125 = arith.constant 0 : i32
      %dma_start3A_126 = arith.constant 0 : i32
      %dma_start3A_127 = tpu.memref_slice %arg8[%dma_start3A_125, %dma_start3A_126] : memref<10240x128xf32, #tpu.memory_space<vmem_shared>> -> memref<10240x128xf32, #tpu.memory_space<vmem_shared>>
      tpu.enqueue_indirect_dma source(%arg14 : memref<16x128xf32, #tpu.memory_space<vmem>>) target(%dma_start3A_127 : memref<10240x128xf32, #tpu.memory_space<vmem_shared>>) offsets(%arg12 : memref<16xi32, #tpu.memory_space<vmem>>) semaphore(%run_scoped3A : memref<!tpu.dma_semaphore, #tpu.memory_space<semaphore_mem>>) {add = true}
      %dma_wait3A_128 = arith.constant 0 : i32
      %dma_wait3A_129 = arith.constant 0 : i32
      %dma_wait3A_130 = tpu.memref_slice %arg8[%dma_wait3A_128, %dma_wait3A_129] : memref<10240x128xf32, #tpu.memory_space<vmem_shared>> -> memref<10240x128xf32, #tpu.memory_space<vmem_shared>>
      tpu.wait_indirect_dma semaphore(%run_scoped3A : memref<!tpu.dma_semaphore, #tpu.memory_space<semaphore_mem>>) src(%arg14 : memref<16x128xf32, #tpu.memory_space<vmem>>) dst(%dma_wait3A_130 : memref<10240x128xf32, #tpu.memory_space<vmem_shared>>)
      tpu.yield
    }) : () -> ()
    %barrier3A_120 = arith.constant 0 : index
    tpu.barrier barrier_id(%barrier3A_120)
    %mul3A_121 = arith.constant 640 : i32
    %mul3A_122 = arith.muli %arg1, %mul3A_121 : i32
    %mul3A_123 = arith.constant 640 : i32
    %mul3A_124 = arith.muli %arg1, %mul3A_123 : i32
    "tpu.region"() ({
      %run_scoped3A = tpu.sem_alloc : memref<!tpu.dma_semaphore, #tpu.memory_space<semaphore_mem>>
      %dma_start3A_125 = arith.constant 0 : i32
      %dma_start3A_126 = tpu.memref_slice %arg7[%arg0, %mul3A_124, %dma_start3A_125] : memref<2x10240x128xf32, #tpu.memory_space<hbm>> -> memref<1x640x128xf32, #tpu.memory_space<hbm>>
      %dma_start3A_127 = tpu.memref_squeeze %dma_start3A_126 : memref<1x640x128xf32, #tpu.memory_space<hbm>> -> memref<640x128xf32, #tpu.memory_space<hbm>>
      %dma_start3A_128 = arith.constant 0 : i32
      %dma_start3A_129 = tpu.memref_slice %arg8[%mul3A_122, %dma_start3A_128] : memref<10240x128xf32, #tpu.memory_space<vmem_shared>> -> memref<640x128xf32, #tpu.memory_space<vmem_shared>>
      tpu.enqueue_dma source(%dma_start3A_129 : memref<640x128xf32, #tpu.memory_space<vmem_shared>>) target(%dma_start3A_127 : memref<640x128xf32, #tpu.memory_space<hbm>>) target_semaphore(%run_scoped3A : memref<!tpu.dma_semaphore, #tpu.memory_space<semaphore_mem>>)
      %dma_wait3A_130 = arith.constant 0 : i32
      %dma_wait3A_131 = tpu.memref_slice %arg7[%arg0, %mul3A_124, %dma_wait3A_130] : memref<2x10240x128xf32, #tpu.memory_space<hbm>> -> memref<1x640x128xf32, #tpu.memory_space<hbm>>
      %dma_wait3A_132 = tpu.memref_squeeze %dma_wait3A_131 : memref<1x640x128xf32, #tpu.memory_space<hbm>> -> memref<640x128xf32, #tpu.memory_space<hbm>>
      %dma_wait3A_133 = arith.constant 0 : i32
      %dma_wait3A_134 = tpu.memref_slice %arg8[%mul3A_122, %dma_wait3A_133] : memref<10240x128xf32, #tpu.memory_space<vmem_shared>> -> memref<640x128xf32, #tpu.memory_space<vmem_shared>>
      tpu.wait_dma2 semaphore(%run_scoped3A : memref<!tpu.dma_semaphore, #tpu.memory_space<semaphore_mem>>) src(%dma_wait3A_134 : memref<640x128xf32, #tpu.memory_space<vmem_shared>>) dst(%dma_wait3A_132 : memref<640x128xf32, #tpu.memory_space<hbm>>)
      tpu.yield
    }) : () -> ()
    return
  }
}

module attributes {stable_mosaic.version = 14 : i64} {
  func.func @_lin2_body(%arg0: i32, %arg1: memref<1x1024x128xf32, #tpu.memory_space<vmem>>, %arg2: memref<1x1024x128xf32, #tpu.memory_space<vmem>>, %arg3: memref<1024x128xf32, #tpu.memory_space<vmem>>, %arg4: memref<1x1x1x1024xf32, #tpu.memory_space<vmem>>, %arg5: memref<1x1x1x1024xf32, #tpu.memory_space<vmem>>, %arg6: memref<1x1x128xf32, #tpu.memory_space<vmem>>, %arg7: memref<128x128xf32, #tpu.memory_space<vmem>>, %arg8: memref<1024x128xf32, #tpu.memory_space<vmem>>) attributes {dimension_semantics = [#tpu.dimension_semantics<arbitrary>], iteration_bounds = array<i64: 10>, scalar_prefetch = 0 : i64, scratch_operands = 0 : i64, tpu.core_type = #tpu.core_type<tc>, window_params = [{transform_indices = @transform_0, window_bounds = array<i64: 1, 1024, 128>}, {transform_indices = @transform_1, window_bounds = array<i64: 1, 1024, 128>}, {transform_indices = @transform_2, window_bounds = array<i64: 1024, 128>}, {transform_indices = @transform_3, window_bounds = array<i64: 1, 1, 1, 1024>}, {transform_indices = @transform_4, window_bounds = array<i64: 1, 1, 1, 1024>}, {pipeline_mode = #tpu.pipeline_mode<synchronous>, transform_indices = @transform_5, window_bounds = array<i64: 1, 1, 128>}, {pipeline_mode = #tpu.pipeline_mode<synchronous>, transform_indices = @transform_6, window_bounds = array<i64: 128, 128>}, {transform_indices = @transform_7, window_bounds = array<i64: 1024, 128>}]} {
    %get3A = arith.constant 0 : index
    %get3A_0 = arith.constant 0 : index
    %get3A_1 = arith.constant 0 : index
    %get3A_2 = arith.constant 0 : index
    %get3A_3 = vector.load %arg4[%get3A, %get3A_0, %get3A_1, %get3A_2] : memref<1x1x1x1024xf32, #tpu.memory_space<vmem>>, vector<1x1x1x1024xf32>
    %get3A_4 = vector.shape_cast %get3A_3 : vector<1x1x1x1024xf32> to vector<1024xf32>
    %get3A_5 = arith.constant 0 : index
    %get3A_6 = arith.constant 0 : index
    %get3A_7 = arith.constant 0 : index
    %get3A_8 = arith.constant 0 : index
    %get3A_9 = vector.load %arg5[%get3A_5, %get3A_6, %get3A_7, %get3A_8] : memref<1x1x1x1024xf32, #tpu.memory_space<vmem>>, vector<1x1x1x1024xf32>
    %get3A_10 = vector.shape_cast %get3A_9 : vector<1x1x1x1024xf32> to vector<1024xf32>
    %add3A = arith.addf %get3A_4, %get3A_10 : vector<1024xf32>
    %sub3A = arith.constant 1.000000e+00 : f32
    %sub3A_11 = vector.broadcast %sub3A : f32 to vector<1024xf32>
    %sub3A_12 = arith.subf %add3A, %sub3A_11 : vector<1024xf32>
    %rsqrt3A = math.rsqrt %sub3A_12 : vector<1024xf32>
    %get3A_13 = arith.constant 0 : index
    %get3A_14 = arith.constant 0 : index
    %get3A_15 = arith.constant 0 : index
    %get3A_16 = vector.load %arg1[%get3A_13, %get3A_14, %get3A_15] : memref<1x1024x128xf32, #tpu.memory_space<vmem>>, vector<1x1024x128xf32>
    %get3A_17 = vector.shape_cast %get3A_16 : vector<1x1024x128xf32> to vector<1024x128xf32>
    %get3A_18 = arith.constant 0 : index
    %get3A_19 = arith.constant 0 : index
    %get3A_20 = arith.constant 0 : index
    %get3A_21 = vector.load %arg2[%get3A_18, %get3A_19, %get3A_20] : memref<1x1024x128xf32, #tpu.memory_space<vmem>>, vector<1x1024x128xf32>
    %get3A_22 = vector.shape_cast %get3A_21 : vector<1x1024x128xf32> to vector<1024x128xf32>
    %add3A_23 = arith.addf %get3A_17, %get3A_22 : vector<1024x128xf32>
    %get3A_24 = arith.constant 0 : index
    %get3A_25 = arith.constant 0 : index
    %get3A_26 = vector.load %arg3[%get3A_24, %get3A_25] : memref<1024x128xf32, #tpu.memory_space<vmem>>, vector<1024x128xf32>
    %sub3A_27 = arith.subf %add3A_23, %get3A_26 : vector<1024x128xf32>
    %broadcast_in_dim3A = vector.shape_cast %rsqrt3A : vector<1024xf32> to vector<1024x1xf32>
    %mul3A = vector.broadcast %broadcast_in_dim3A : vector<1024x1xf32> to vector<1024x128xf32>
    %mul3A_28 = arith.mulf %sub3A_27, %mul3A : vector<1024x128xf32>
    %get3A_29 = arith.constant 0 : index
    %get3A_30 = arith.constant 0 : index
    %get3A_31 = arith.constant 0 : index
    %get3A_32 = vector.load %arg6[%get3A_29, %get3A_30, %get3A_31] : memref<1x1x128xf32, #tpu.memory_space<vmem>>, vector<1x1x128xf32>
    %get3A_33 = vector.shape_cast %get3A_32 : vector<1x1x128xf32> to vector<128xf32>
    %broadcast_in_dim3A_34 = vector.shape_cast %get3A_33 : vector<128xf32> to vector<1x128xf32>
    %add3A_35 = vector.broadcast %broadcast_in_dim3A_34 : vector<1x128xf32> to vector<1024x128xf32>
    %add3A_36 = arith.addf %mul3A_28, %add3A_35 : vector<1024x128xf32>
    %max3A = arith.constant 0.000000e+00 : f32
    %max3A_37 = vector.broadcast %max3A : f32 to vector<1024x128xf32>
    %max3A_38 = arith.maximumf %add3A_36, %max3A_37 : vector<1024x128xf32>
    %get3A_39 = arith.constant 0 : index
    %get3A_40 = arith.constant 0 : index
    %get3A_41 = vector.load %arg7[%get3A_39, %get3A_40] : memref<128x128xf32, #tpu.memory_space<vmem>>, vector<128x128xf32>
    %dot_general3A = arith.constant dense<0.000000e+00> : vector<1024x128xf32>
    %dot_general3A_42 = tpu.matmul %max3A_38, %get3A_41, %dot_general3A {dimension_numbers = #tpu.dot_dimension_numbers<[1], [0], [0], [1], [0, 0, 1, 1], [], []>, transpose_lhs_hint = false} : vector<1024x128xf32>, vector<128x128xf32>, vector<1024x128xf32> -> vector<1024x128xf32>
    %broadcast_in_dim3A_43 = vector.shape_cast %rsqrt3A : vector<1024xf32> to vector<1024x1xf32>
    %mul3A_44 = vector.broadcast %broadcast_in_dim3A_43 : vector<1024x1xf32> to vector<1024x128xf32>
    %mul3A_45 = arith.mulf %dot_general3A_42, %mul3A_44 : vector<1024x128xf32>
    %swap3A = arith.constant 0 : index
    %swap3A_46 = arith.constant 0 : index
    %swap3A_47 = vector.load %arg8[%swap3A, %swap3A_46] : memref<1024x128xf32, #tpu.memory_space<vmem>>, vector<1024x128xf32>
    tpu.vector_store %arg8[%swap3A, %swap3A_46], %mul3A_45 {strides = array<i32>} : memref<1024x128xf32, #tpu.memory_space<vmem>>, vector<1024x128xf32>,
    return
  }
  func.func @transform_0(%arg0: i32) -> (i32, i32, i32) {
    %c0_i32 = arith.constant 0 : i32
    %c0_i32_0 = arith.constant 0 : i32
    %c0_i32_1 = arith.constant 0 : i32
    return %c0_i32, %arg0, %c0_i32_0 : i32, i32, i32
  }
  func.func @transform_1(%arg0: i32) -> (i32, i32, i32) {
    %c1_i32 = arith.constant 1 : i32
    %c0_i32 = arith.constant 0 : i32
    %c0_i32_0 = arith.constant 0 : i32
    return %c1_i32, %arg0, %c0_i32 : i32, i32, i32
  }
  func.func @transform_2(%arg0: i32) -> (i32, i32) {
    %c0_i32 = arith.constant 0 : i32
    %c0_i32_0 = arith.constant 0 : i32
    return %arg0, %c0_i32 : i32, i32
  }
  func.func @transform_3(%arg0: i32) -> (i32, i32, i32, i32) {
    %c0_i32 = arith.constant 0 : i32
    %c0_i32_0 = arith.constant 0 : i32
    %c0_i32_1 = arith.constant 0 : i32
    %c0_i32_2 = arith.constant 0 : i32
    return %c0_i32, %arg0, %c0_i32_0, %c0_i32_1 : i32, i32, i32, i32
  }
  func.func @transform_4(%arg0: i32) -> (i32, i32, i32, i32) {
    %c1_i32 = arith.constant 1 : i32
    %c0_i32 = arith.constant 0 : i32
    %c0_i32_0 = arith.constant 0 : i32
    %c0_i32_1 = arith.constant 0 : i32
    return %c1_i32, %arg0, %c0_i32, %c0_i32_0 : i32, i32, i32, i32
  }
  func.func @transform_5(%arg0: i32) -> (i32, i32, i32) {
    %c0_i32 = arith.constant 0 : i32
    %c0_i32_0 = arith.constant 0 : i32
    %c0_i32_1 = arith.constant 0 : i32
    %c0_i32_2 = arith.constant 0 : i32
    return %c0_i32, %c0_i32_0, %c0_i32_1 : i32, i32, i32
  }
  func.func @transform_6(%arg0: i32) -> (i32, i32) {
    %c0_i32 = arith.constant 0 : i32
    %c0_i32_0 = arith.constant 0 : i32
    %c0_i32_1 = arith.constant 0 : i32
    return %c0_i32, %c0_i32_0 : i32, i32
  }
  func.func @transform_7(%arg0: i32) -> (i32, i32) {
    %c0_i32 = arith.constant 0 : i32
    %c0_i32_0 = arith.constant 0 : i32
    return %arg0, %c0_i32 : i32, i32
  }
}

module attributes {stable_mosaic.version = 14 : i64} {
  func.func @_lin1_body(%arg0: i32, %arg1: memref<1024x128xf32, #tpu.memory_space<vmem>>, %arg2: memref<1x1x1x1024xf32, #tpu.memory_space<vmem>>, %arg3: memref<1x1x1x1024xf32, #tpu.memory_space<vmem>>, %arg4: memref<128x128xf32, #tpu.memory_space<vmem>>, %arg5: memref<1024x128xf32, #tpu.memory_space<vmem>>) attributes {dimension_semantics = [#tpu.dimension_semantics<arbitrary>], iteration_bounds = array<i64: 10>, scalar_prefetch = 0 : i64, scratch_operands = 0 : i64, tpu.core_type = #tpu.core_type<tc>, window_params = [{transform_indices = @transform_0, window_bounds = array<i64: 1024, 128>}, {transform_indices = @transform_1, window_bounds = array<i64: 1, 1, 1, 1024>}, {transform_indices = @transform_2, window_bounds = array<i64: 1, 1, 1, 1024>}, {pipeline_mode = #tpu.pipeline_mode<synchronous>, transform_indices = @transform_3, window_bounds = array<i64: 128, 128>}, {transform_indices = @transform_4, window_bounds = array<i64: 1024, 128>}]} {
    %get3A = arith.constant 0 : index
    %get3A_0 = arith.constant 0 : index
    %get3A_1 = arith.constant 0 : index
    %get3A_2 = arith.constant 0 : index
    %get3A_3 = vector.load %arg2[%get3A, %get3A_0, %get3A_1, %get3A_2] : memref<1x1x1x1024xf32, #tpu.memory_space<vmem>>, vector<1x1x1x1024xf32>
    %get3A_4 = vector.shape_cast %get3A_3 : vector<1x1x1x1024xf32> to vector<1024xf32>
    %get3A_5 = arith.constant 0 : index
    %get3A_6 = arith.constant 0 : index
    %get3A_7 = arith.constant 0 : index
    %get3A_8 = arith.constant 0 : index
    %get3A_9 = vector.load %arg3[%get3A_5, %get3A_6, %get3A_7, %get3A_8] : memref<1x1x1x1024xf32, #tpu.memory_space<vmem>>, vector<1x1x1x1024xf32>
    %get3A_10 = vector.shape_cast %get3A_9 : vector<1x1x1x1024xf32> to vector<1024xf32>
    %add3A = arith.addf %get3A_4, %get3A_10 : vector<1024xf32>
    %sub3A = arith.constant 1.000000e+00 : f32
    %sub3A_11 = vector.broadcast %sub3A : f32 to vector<1024xf32>
    %sub3A_12 = arith.subf %add3A, %sub3A_11 : vector<1024xf32>
    %rsqrt3A = math.rsqrt %sub3A_12 : vector<1024xf32>
    %get3A_13 = arith.constant 0 : index
    %get3A_14 = arith.constant 0 : index
    %get3A_15 = vector.load %arg1[%get3A_13, %get3A_14] : memref<1024x128xf32, #tpu.memory_space<vmem>>, vector<1024x128xf32>
    %get3A_16 = arith.constant 0 : index
    %get3A_17 = arith.constant 0 : index
    %get3A_18 = vector.load %arg4[%get3A_16, %get3A_17] : memref<128x128xf32, #tpu.memory_space<vmem>>, vector<128x128xf32>
    %dot_general3A = arith.constant dense<0.000000e+00> : vector<1024x128xf32>
    %dot_general3A_19 = tpu.matmul %get3A_15, %get3A_18, %dot_general3A {dimension_numbers = #tpu.dot_dimension_numbers<[1], [0], [0], [1], [0, 0, 1, 1], [], []>, transpose_lhs_hint = false} : vector<1024x128xf32>, vector<128x128xf32>, vector<1024x128xf32> -> vector<1024x128xf32>
    %broadcast_in_dim3A = vector.shape_cast %rsqrt3A : vector<1024xf32> to vector<1024x1xf32>
    %mul3A = vector.broadcast %broadcast_in_dim3A : vector<1024x1xf32> to vector<1024x128xf32>
    %mul3A_20 = arith.mulf %dot_general3A_19, %mul3A : vector<1024x128xf32>
    %swap3A = arith.constant 0 : index
    %swap3A_21 = arith.constant 0 : index
    %swap3A_22 = vector.load %arg5[%swap3A, %swap3A_21] : memref<1024x128xf32, #tpu.memory_space<vmem>>, vector<1024x128xf32>
    tpu.vector_store %arg5[%swap3A, %swap3A_21], %mul3A_20 {strides = array<i32>} : memref<1024x128xf32, #tpu.memory_space<vmem>>, vector<1024x128xf32>,
    return
  }
  func.func @transform_0(%arg0: i32) -> (i32, i32) {
    %c0_i32 = arith.constant 0 : i32
    %c0_i32_0 = arith.constant 0 : i32
    return %arg0, %c0_i32 : i32, i32
  }
  func.func @transform_1(%arg0: i32) -> (i32, i32, i32, i32) {
    %c0_i32 = arith.constant 0 : i32
    %c0_i32_0 = arith.constant 0 : i32
    %c0_i32_1 = arith.constant 0 : i32
    %c0_i32_2 = arith.constant 0 : i32
    return %c0_i32, %arg0, %c0_i32_0, %c0_i32_1 : i32, i32, i32, i32
  }
  func.func @transform_2(%arg0: i32) -> (i32, i32, i32, i32) {
    %c1_i32 = arith.constant 1 : i32
    %c0_i32 = arith.constant 0 : i32
    %c0_i32_0 = arith.constant 0 : i32
    %c0_i32_1 = arith.constant 0 : i32
    return %c1_i32, %arg0, %c0_i32, %c0_i32_0 : i32, i32, i32, i32
  }
  func.func @transform_3(%arg0: i32) -> (i32, i32) {
    %c0_i32 = arith.constant 0 : i32
    %c0_i32_0 = arith.constant 0 : i32
    %c0_i32_1 = arith.constant 0 : i32
    return %c0_i32, %c0_i32_0 : i32, i32
  }
  func.func @transform_4(%arg0: i32) -> (i32, i32) {
    %c0_i32 = arith.constant 0 : i32
    %c0_i32_0 = arith.constant 0 : i32
    return %arg0, %c0_i32 : i32, i32
  }
}

module attributes {stable_mosaic.version = 14 : i64} {
  func.func @_out_body(%arg0: i32, %arg1: memref<1x1024x128xf32, #tpu.memory_space<vmem>>, %arg2: memref<1x1024x128xf32, #tpu.memory_space<vmem>>, %arg3: memref<1024x128xf32, #tpu.memory_space<vmem>>, %arg4: memref<1x1x1x1024xf32, #tpu.memory_space<vmem>>, %arg5: memref<1x1x1x1024xf32, #tpu.memory_space<vmem>>, %arg6: memref<1x1x128xf32, #tpu.memory_space<vmem>>, %arg7: memref<1024x128xf32, #tpu.memory_space<vmem>>) attributes {dimension_semantics = [#tpu.dimension_semantics<arbitrary>], iteration_bounds = array<i64: 10>, scalar_prefetch = 0 : i64, scratch_operands = 0 : i64, tpu.core_type = #tpu.core_type<tc>, window_params = [{transform_indices = @transform_0, window_bounds = array<i64: 1, 1024, 128>}, {transform_indices = @transform_1, window_bounds = array<i64: 1, 1024, 128>}, {transform_indices = @transform_2, window_bounds = array<i64: 1024, 128>}, {transform_indices = @transform_3, window_bounds = array<i64: 1, 1, 1, 1024>}, {transform_indices = @transform_4, window_bounds = array<i64: 1, 1, 1, 1024>}, {pipeline_mode = #tpu.pipeline_mode<synchronous>, transform_indices = @transform_5, window_bounds = array<i64: 1, 1, 128>}, {transform_indices = @transform_6, window_bounds = array<i64: 1024, 128>}]} {
    %get3A = arith.constant 0 : index
    %get3A_0 = arith.constant 0 : index
    %get3A_1 = arith.constant 0 : index
    %get3A_2 = arith.constant 0 : index
    %get3A_3 = vector.load %arg4[%get3A, %get3A_0, %get3A_1, %get3A_2] : memref<1x1x1x1024xf32, #tpu.memory_space<vmem>>, vector<1x1x1x1024xf32>
    %get3A_4 = vector.shape_cast %get3A_3 : vector<1x1x1x1024xf32> to vector<1024xf32>
    %get3A_5 = arith.constant 0 : index
    %get3A_6 = arith.constant 0 : index
    %get3A_7 = arith.constant 0 : index
    %get3A_8 = arith.constant 0 : index
    %get3A_9 = vector.load %arg5[%get3A_5, %get3A_6, %get3A_7, %get3A_8] : memref<1x1x1x1024xf32, #tpu.memory_space<vmem>>, vector<1x1x1x1024xf32>
    %get3A_10 = vector.shape_cast %get3A_9 : vector<1x1x1x1024xf32> to vector<1024xf32>
    %add3A = arith.addf %get3A_4, %get3A_10 : vector<1024xf32>
    %sub3A = arith.constant 1.000000e+00 : f32
    %sub3A_11 = vector.broadcast %sub3A : f32 to vector<1024xf32>
    %sub3A_12 = arith.subf %add3A, %sub3A_11 : vector<1024xf32>
    %rsqrt3A = math.rsqrt %sub3A_12 : vector<1024xf32>
    %get3A_13 = arith.constant 0 : index
    %get3A_14 = arith.constant 0 : index
    %get3A_15 = arith.constant 0 : index
    %get3A_16 = vector.load %arg1[%get3A_13, %get3A_14, %get3A_15] : memref<1x1024x128xf32, #tpu.memory_space<vmem>>, vector<1x1024x128xf32>
    %get3A_17 = vector.shape_cast %get3A_16 : vector<1x1024x128xf32> to vector<1024x128xf32>
    %get3A_18 = arith.constant 0 : index
    %get3A_19 = arith.constant 0 : index
    %get3A_20 = arith.constant 0 : index
    %get3A_21 = vector.load %arg2[%get3A_18, %get3A_19, %get3A_20] : memref<1x1024x128xf32, #tpu.memory_space<vmem>>, vector<1x1024x128xf32>
    %get3A_22 = vector.shape_cast %get3A_21 : vector<1x1024x128xf32> to vector<1024x128xf32>
    %add3A_23 = arith.addf %get3A_17, %get3A_22 : vector<1024x128xf32>
    %get3A_24 = arith.constant 0 : index
    %get3A_25 = arith.constant 0 : index
    %get3A_26 = vector.load %arg3[%get3A_24, %get3A_25] : memref<1024x128xf32, #tpu.memory_space<vmem>>, vector<1024x128xf32>
    %sub3A_27 = arith.subf %add3A_23, %get3A_26 : vector<1024x128xf32>
    %broadcast_in_dim3A = vector.shape_cast %rsqrt3A : vector<1024xf32> to vector<1024x1xf32>
    %mul3A = vector.broadcast %broadcast_in_dim3A : vector<1024x1xf32> to vector<1024x128xf32>
    %mul3A_28 = arith.mulf %sub3A_27, %mul3A : vector<1024x128xf32>
    %get3A_29 = arith.constant 0 : index
    %get3A_30 = arith.constant 0 : index
    %get3A_31 = arith.constant 0 : index
    %get3A_32 = vector.load %arg6[%get3A_29, %get3A_30, %get3A_31] : memref<1x1x128xf32, #tpu.memory_space<vmem>>, vector<1x1x128xf32>
    %get3A_33 = vector.shape_cast %get3A_32 : vector<1x1x128xf32> to vector<128xf32>
    %broadcast_in_dim3A_34 = vector.shape_cast %get3A_33 : vector<128xf32> to vector<1x128xf32>
    %add3A_35 = vector.broadcast %broadcast_in_dim3A_34 : vector<1x128xf32> to vector<1024x128xf32>
    %add3A_36 = arith.addf %mul3A_28, %add3A_35 : vector<1024x128xf32>
    %swap3A = arith.constant 0 : index
    %swap3A_37 = arith.constant 0 : index
    %swap3A_38 = vector.load %arg7[%swap3A, %swap3A_37] : memref<1024x128xf32, #tpu.memory_space<vmem>>, vector<1024x128xf32>
    tpu.vector_store %arg7[%swap3A, %swap3A_37], %add3A_36 {strides = array<i32>} : memref<1024x128xf32, #tpu.memory_space<vmem>>, vector<1024x128xf32>,
    return
  }
  func.func @transform_0(%arg0: i32) -> (i32, i32, i32) {
    %c0_i32 = arith.constant 0 : i32
    %c0_i32_0 = arith.constant 0 : i32
    %c0_i32_1 = arith.constant 0 : i32
    return %c0_i32, %arg0, %c0_i32_0 : i32, i32, i32
  }
  func.func @transform_1(%arg0: i32) -> (i32, i32, i32) {
    %c1_i32 = arith.constant 1 : i32
    %c0_i32 = arith.constant 0 : i32
    %c0_i32_0 = arith.constant 0 : i32
    return %c1_i32, %arg0, %c0_i32 : i32, i32, i32
  }
  func.func @transform_2(%arg0: i32) -> (i32, i32) {
    %c0_i32 = arith.constant 0 : i32
    %c0_i32_0 = arith.constant 0 : i32
    return %arg0, %c0_i32 : i32, i32
  }
  func.func @transform_3(%arg0: i32) -> (i32, i32, i32, i32) {
    %c0_i32 = arith.constant 0 : i32
    %c0_i32_0 = arith.constant 0 : i32
    %c0_i32_1 = arith.constant 0 : i32
    %c0_i32_2 = arith.constant 0 : i32
    return %c0_i32, %arg0, %c0_i32_0, %c0_i32_1 : i32, i32, i32, i32
  }
  func.func @transform_4(%arg0: i32) -> (i32, i32, i32, i32) {
    %c1_i32 = arith.constant 1 : i32
    %c0_i32 = arith.constant 0 : i32
    %c0_i32_0 = arith.constant 0 : i32
    %c0_i32_1 = arith.constant 0 : i32
    return %c1_i32, %arg0, %c0_i32, %c0_i32_0 : i32, i32, i32, i32
  }
  func.func @transform_5(%arg0: i32) -> (i32, i32, i32) {
    %c0_i32 = arith.constant 0 : i32
    %c0_i32_0 = arith.constant 0 : i32
    %c0_i32_1 = arith.constant 0 : i32
    %c0_i32_2 = arith.constant 0 : i32
    return %c0_i32, %c0_i32_0, %c0_i32_1 : i32, i32, i32
  }
  func.func @transform_6(%arg0: i32) -> (i32, i32) {
    %c0_i32 = arith.constant 0 : i32
    %c0_i32_0 = arith.constant 0 : i32
    return %arg0, %c0_i32 : i32, i32
  }
}

</mosaic_0001>

<sc_bundles>
// kernel: kernel.11.cloned.1.call-start
scs
__scs_entry_jumppad:
0x0: {  	(pc) =	sbr.rel $0x88, $3  }
0x1: {  	(tag) =	ssettag $0x0;
	lr =	simm.s32 $0x1  }
0x2: {  	[smem:$0x3F9B] =	sst lr;
	_ =	strace $0xD0000000  }
0x3: {  	_ = 	snop  }
0x4: {  	_ = 	snop  }
0x5: {  	_ = 	snop  }
0x6: {  	_ = 	snop  }
0x7: {  	_ = 	snop  }
__scs_overlays_trampoline_lowered:
0x8: {  	[smem:$0x3FAA] =	sst s0  }
0x9: {  	[smem:$0x3FAB] =	sst s1  }
0xa: {  	[smem:$0x3FAC] =	sst s2  }
0xb: {  	[smem:$0x3FAD] =	sst s3  }
0xc: {  	[smem:$0x3FAE] =	sst s4  }
0xd: {  	[smem:$0x3FAF] =	sst s5  }
0xe: {  	[smem:$0x3FB0] =	sst s6  }
0xf: {  	[smem:$0x3FB1] =	sst s7  }
0x10: {  	[smem:$0x3FB2] =	sst s8  }
0x11: {  	[smem:$0x3FB3] =	sst s9;
	s0 =	simm.s32 @!p0 $0x0  }
0x12: {  	s1 =	sld [smem:$0x3F99];
	s0 =	simm.s32 @p0 $0x1  }
0x13: {  	[smem:$0x3FB4] =	sst s0;
	s0 =	simm.s32 @!p1 $0x0  }
0x14: {  	s2 =	sld [smem:$0x3F98];
	s0 =	simm.s32 @p1 $0x1  }
0x15: {  	[smem:$0x3FB5] =	sst s0;
	s0 =	simm.s32 @!p2 $0x0  }
0x16: {  	s3 =	sld [smem:$0x3FDB];
	s0 =	simm.s32 @p2 $0x1  }
0x17: {  	s4 =	simm.s32 $0x1BF5;
	[smem:$0x3FB7] =	sst s0  }
0x18: {  	s0 =	sld [smem:$0x3F9A];
	_ =	swait.ge [sflag:s4], $0x0  }
0x19: {  	s7 =	sld [smem:$0x3F9B]  }
0x1a: {  	s8 =	sadd.s32 $0xFFFFE003, lr  }
0x1b: {  	s9 =	sadd.s32 $0xFFFFFEF7, lr;
	s5 =	simm.s32 $0xFFFFFFFF;
	p2 =	slt.u32 s8, $0xFFFFF086  }
0x1c: {  	p1 =	slt.u32 s9, $0xF7A;
	s5 =	simm.s32 @!p2 $0x0  }
0x1d: {  	s5 =	simm.s32 @p1 $0x1;
	p0 =	seq.s32 s7, s2  }
0x1e: {  	s7 =	smul.u32 @!p0 $0xF7A, s2;
	p2 =	seq.s32 @!p0 s5, $0x0  }
0x1f: {  	s9 =	smul.u32 $0xF7A, s1;
	s8 =	simm.s32 @!p0 $0x1BF5;
	p2 =	por !p2, p0  }
0x20: {  	[sflag:s8] =	ssyncset.s32 @!p0 $0xFFFFF086;
	s6 =	sadd.s32 @!p0 s3, s7;
	s7 =	simm.s32 @!p0 $0x108  }
0x21: {  	s3 =	sadd.s32 s3, s9;
	s6 =	sadd.s32 @!p0 $0x88, s6;
	s7 =	simm.s32 @p2 $0x1082  }
0x22: {  	[simem:s7], [sflag:s8] =	dma.local @!p0 [hbm:s6], $0xF7A  }
0x23: {  	s9 =	sor.u32 $0xD0000000, s2;
	s6 =	simm.s32 $0x108;
	_ =	swait.ge @!p0 [sflag:s8], $0x0  }
0x24: {  	s3 =	sadd.s32 $0x88, s3;
	s6 =	simm.s32 @!p1 $0x1082;
	[sflag:s4] =	ssyncset.s32 $0xFFFFF086  }
0x25: {  	[simem:s6], [sflag:s4] =	dma.local [hbm:s3], $0xF7A  }
0x26: {  	[smem:$0x3F9B] =	sst s1;
	(tag) =	ssettag s2;
	_ =	strace s9  }
0x27: {  	s1 =	sld [smem:$0x3FAB]  }
0x28: {  	s2 =	sld [smem:$0x3FAC]  }
0x29: {  	s4 =	sld [smem:$0x3FAE]  }
0x2a: {  	p0 =	seq.s32 s5, $0x0;
	s5 =	sld [smem:$0x3FAF]  }
0x2b: {  	s6 =	sld [smem:$0x3FB0]  }
0x2c: {  	s7 =	sld [smem:$0x3FB1]  }
0x2d: {  	s3 =	simm.s32 $0x108;
	s8 =	sld [smem:$0x3FB2]  }
0x2e: {  	s3 =	simm.s32 @!p0 $0x1082;
	s9 =	sld [smem:$0x3FB3]  }
0x2f: {  	lr =	sadd.s32 s0, s3;
	s0 =	sld [smem:$0x3FAA]  }
0x30: {  	s3 =	sld [smem:$0x3FAD]  }
0x31: {  	[smem:$0x3FB6] =	sst s10  }
0x32: {  	s10 =	sld [smem:$0x3FB4];
	_ =	sdelay $0x3  }
0x33: {  	p0 =	seq.s32 s10, $0x1;
	s10 =	sld [smem:$0x3FB6];
	_ =	sdelay $0x3  }
0x34: {  	[smem:$0x3FB6] =	sst s10  }
0x35: {  	s10 =	sld [smem:$0x3FB5];
	_ =	sdelay $0x3  }
0x36: {  	p1 =	seq.s32 s10, $0x1;
	s10 =	sld [smem:$0x3FB6];
	_ =	sdelay $0x3  }
0x37: {  	[smem:$0x3FB6] =	sst s10  }
0x38: {  	s10 =	sld [smem:$0x3FB7]  }
0x39: {  	_ = 	snop;
	(pc) =	sbr.ind lr, $3  }
0x3a: {  	_ = 	snop  }
0x3b: {  	_ = 	snop  }
0x3c: {  	p2 =	seq.s32 s10, $0x1;
	s10 =	sld [smem:$0x3FB6]  }
0x3d: {  	_ =	shalt  }
0x3e: {  	_ =	shalt  }
0x3f: {  	_ =	shalt  }
0x40: {  	_ =	shalt  }
0x41: {  	_ =	shalt  }
0x42: {  	_ =	shalt  }
0x43: {  	_ =	shalt  }
0x44: {  	_ =	shalt  }
0x45: {  	_ =	shalt  }
0x46: {  	_ =	shalt  }
0x47: {  	_ =	shalt  }
0x48: {  	_ =	shalt  }
0x49: {  	_ =	shalt  }
0x4a: {  	_ =	shalt  }
0x4b: {  	_ =	shalt  }
0x4c: {  	_ =	shalt  }
0x4d: {  	_ =	shalt  }
0x4e: {  	_ =	shalt  }
0x4f: {  	_ =	shalt  }
0x50: {  	_ =	shalt  }
0x51: {  	_ =	shalt  }
0x52: {  	_ =	shalt  }
0x53: {  	_ =	shalt  }
0x54: {  	_ =	shalt  }
0x55: {  	_ =	shalt  }
0x56: {  	_ =	shalt  }
0x57: {  	_ =	shalt  }
0x58: {  	_ =	shalt  }
0x59: {  	_ =	shalt  }
0x5a: {  	_ =	shalt  }
0x5b: {  	_ =	shalt  }
0x5c: {  	_ =	shalt  }
0x5d: {  	_ =	shalt  }
0x5e: {  	_ =	shalt  }
0x5f: {  	_ =	shalt  }
0x60: {  	_ =	shalt  }
0x61: {  	_ =	shalt  }
0x62: {  	_ =	shalt  }
0x63: {  	_ =	shalt  }
0x64: {  	_ =	shalt  }
0x65: {  	_ =	shalt  }
0x66: {  	_ =	shalt  }
0x67: {  	_ =	shalt  }
0x68: {  	_ =	shalt  }
0x69: {  	_ =	shalt  }
0x6a: {  	_ =	shalt  }
0x6b: {  	_ =	shalt  }
0x6c: {  	_ =	shalt  }
0x6d: {  	_ =	shalt  }
0x6e: {  	_ =	shalt  }
0x6f: {  	_ =	shalt  }
0x70: {  	_ =	shalt  }
0x71: {  	_ =	shalt  }
0x72: {  	_ =	shalt  }
0x73: {  	_ =	shalt  }
0x74: {  	_ =	shalt  }
0x75: {  	_ =	shalt  }
0x76: {  	_ =	shalt  }
0x77: {  	_ =	shalt  }
0x78: {  	_ =	shalt  }
0x79: {  	_ =	shalt  }
0x7a: {  	_ =	shalt  }
0x7b: {  	_ =	shalt  }
0x7c: {  	_ =	shalt  }
0x7d: {  	_ =	shalt  }
0x7e: {  	_ =	shalt  }
0x7f: {  	_ =	shalt  }
0x80: {  	_ =	shalt  }
0x81: {  	_ =	shalt  }
0x82: {  	_ =	shalt  }
0x83: {  	_ =	shalt  }
0x84: {  	_ =	shalt  }
0x85: {  	_ =	shalt  }
0x86: {  	_ =	shalt  }
0x87: {  	_ =	shalt  }
.Lfunc_end0:
.L_simem_size_0:
called_computation.1_lowered:
.L_overlay_start_0:
0x88: {  	s2 =	sld [smem:$0x3FD9]  }
0x89: {  	s3 =	sld [smem:$0x3FFE];
	_ =	sdelay $0x1  }
0x8a: {  	s1 =	srdreg.scid  }
0x8b: {  	s0 =	sand.u32 $0x1, s1  }
0x8c: {  	s17 =	sshll.u32 s0, $0xA;
	s2 =	sadd.s32 s3, s2  }
0x8d: {  	s2 =	sadd.s32 s2, s17  }
0x8e: {  	[smem:$0x3FC2] =	sst s2  }
0x8f: {  	_ = 	snop  }
0x90: {  	s2 =	sld [smem:$0x3FD0];
	(tm) =	ssettm $0x1  }
0x91: {  	s18 =	sld [smem:$0x3FFB];
	_ =	sdelay $0x3  }
0x92: {  	_ =	strace s18  }
0x93: {  	s3 =	sld [smem:$0x3FFC];
	_ =	sdelay $0x3  }
0x94: {  	_ =	strace s3  }
0x95: {  	s3 =	sld [smem:$0x3FFD];
	_ =	sdelay $0x3  }
0x96: {  	_ =	strace s3  }
0x97: {  	_ =	strace $0x8FFFFFFF  }
0x98: {  	s19 =	sld [smem:$0x3FDB];
	_ =	sdelay $0x1  }
0x99: {  	s4 =	simm.s32 $_scs_section_size  }
0x9a: {  	s5 =	simm.s32 $_size__tile_overlayer_lowered;
	s6 =	simm.s32 $_tile_overlayer_lowered  }
0x9b: {  	s22 =	simm.s32 $0x1BFF;
	s21 =	sshll.u32 s6, $0x1;
	s3 =	sadd.s32 s4, s19  }
0x9c: {  	s7 =	simm.s32 $0x0;
	s20 =	sshll.u32 s5, $0x1;
	s5 =	sadd.s32 s21, s3  }
0x9d: {  	[timem:s7], [sflag:s22] =	dma.local [hbm:s5], s20  }
0x9e: {  	_ =	swait.ge [sflag:s22], s20  }
0x9f: {  	s4 =	ssub.s32 $0x0, s20;
	[sflag:s22] =	ssyncset.done $0x0  }
0xa0: {  	[sflag:s22] =	ssyncadd.s32 s4;
	_ =	sdelay $0x1  }
0xa1: {  	s23 =	simm.s32 $0x1B8B  }
0xa2: {  	_ =	swait.ge [sflag:s23], $0x1  }
0xa3: {  	[sflag:s23] =	ssyncset.done $0x0  }
0xa4: {  	s25 =	simm.s32 $0x1B8E;
	s24 =	sld [smem:$0x3FFE];
	[sflag:s23] =	ssyncadd.s32 $0xFFFFFFFF  }
0xa5: {  	s26 =	simm.s32 $execute0_lowered;
	[smem:$0x3FD2] =	sst s25  }
0xa6: {  	s5 =	sshll.u32 s26, $0x1;
	_ =	strace $0x80000049;
	[dreg:$0x1] =	wrdreg $0xFFFFFFFF  }
0xa7: {  	s28 =	simm.s32 $_size_execute0_lowered;
	s3 =	sadd.s32 s3, s5;
	[dreg:$0x0] =	wrdreg $0x0  }
0xa8: {  	s5 =	sshll.u32 s28, $0x1;
	[dreg:$0x2] =	wrdreg s3  }
0xa9: {  	[dreg:$0x3] =	wrdreg s5  }
0xaa: {  	[dreg:$0x4] =	wrdreg $0xC0  }
0xab: {  	_ =	task [dreg:s7], $0x5FFFF  }
0xac: {  	[dreg:$0x1] =	wrdreg $0xFFFFFFFF  }
0xad: {  	[dreg:$0x0] =	wrdreg $0x60  }
0xae: {  	[dreg:$0x2] =	wrdreg s24  }
0xaf: {  	[dreg:$0x3] =	wrdreg s2  }
0xb0: {  	[dreg:$0x4] =	wrdreg $0x0  }
0xb1: {  	[dreg:$0x5] =	wrdreg $0x9  }
0xb2: {  	_ =	task.clear_ibuf [dreg:s7], $0x6FFFF;
	_ =	strace $0x90000049  }
0xb3: {  	s29 =	simm.s32 $0x9;
	_ =	strace $0x8000004B  }
0xb4: {  	_ =	swait.ge [sflag:s29], $0x1  }
0xb5: {  	[sflag:s29] =	ssyncadd.s32 $0xFFFFFFFF  }
0xb6: {  	_ =	strace $0x9000004B  }
0xb7: {  	_ =	sfence  }
0xb8: {  	s30 =	sld [smem:$0x0];
	_ =	sdelay $0x2  }
0xb9: {  	s31 =	sshll.u32 s1, $0xD;
	s1 =	sshrl.u32 s1, $0x2  }
0xba: {  	s3 =	sand.u32 $0x4000, s31;
	s1 =	sadd.s32 s1, s30  }
0xbb: {  	s0 =	sor.u32 s3, s0;
	s1 =	sshll.u32 s1, $0x11  }
0xbc: {  	s0 =	sor.u32 s1, s0  }
0xbd: {  	s0 =	sadd.s32 $0x8F2B, s0  }
0xbe: {  	[sflag:s0] =	ssyncadd.remote.s32 $0x1  }
0xbf: {  	_ =	sfence.sel $0xFFFF  }
0xc0: {  	[dreg:$0x0] =	wrdreg $0xFFFFFFFF;
	(pc) =	sbr.abs _section_cstart, $3  }
0xc1: {  	[dreg:$0x1] =	wrdreg $0xFFFFFFFF  }
0xc2: {  	_ =	task.clear_ibuf [dreg:s7], $0x2FFFF;
	_ =	strace $0x9FFFFFFF  }
0xc3: {  	(tm) =	ssettm $0x7FFFFFFF  }
tec
execute0_lowered:
.L_overlay_start_1:
0x0: {  	(tag) =	ssettag $0x1  }
0x1: {  	s0 =	rddreg [dreg:$0x0]  }
0x2: {  	s1 =	rddreg [dreg:$0x1]  }
0x3: {  	s2 =	rddreg [dreg:$0x2];
	s4 =	srdreg.scid  }
0x4: {  	s14 =	stileid.u32;
	s3 =	simm.s32 $0x0;
	s29 =	simm.s32 $0x4  }
0x5: {  	s31 =	simm.s32 $0x10;
	s5 =	sand.u32 $0x1, s4;
	s6 =	smul.u32 $0x14000, s14  }
0x6: {  	[smem:$0x7FF] =	sst s3;
	s7 =	sshll.u32 s14, $0x1;
	s12 =	smul.u32 $0x50000, s14  }
0x7: {  	s4 =	sadd.s32 $0xD400, s0;
	s20 =	sshll.u32 s14, $0x6;
	s14 =	smul.u32 $0x4E20, s14  }
0x8: {  	s10 =	sadd.s32 $0x2200, s0;
	s8 =	smul.u32 $0x140000, s5;
	_ =	strace $0x8000004A  }
0x9: {  	s7 =	sor.u32 s5, s7;
	s11 =	ssub.s32 $0x2, s5;
	s5 =	smul.u32 $0x2710, s5  }
0xa: {  	s9 =	sshll.u32 s7, $0x4;
	s17 =	sshrl.u32 s11, $0x1;
	s19 =	smul.u32 $0x500, s7  }
0xb: {  	s18 =	sshrl.u32 s12, $0x2;
	s7 =	smul.u32 $0x2710, s7;
	s8 =	sadd.s32 s6, s8  }
0xc: {  	s13 =	sadd.s32 s9, s0;
	s12 =	sadd.s32 s18, s2;
	s6 =	sshrl.u32 s6, $0x3  }
0xd: {  	s24 =	sadd.s32 s5, s14;
	s18 =	simm.s32 $0x7;
	s8 =	sshrl.u32 s8, $0x3  }
0xe: {  	s6 =	sadd.s32 s4, s6;
	s7 =	sshrl.u32 s7, $0x3;
	s1 =	sadd.s32 s1, s19  }
0xf: {  	s21 =	sadd.s32 $0xC000, s13;
	s22 =	sadd.s32 $0xD200, s13;
	[dreg:$0x4] =	wrdreg s6  }
0x10: {  	s0 =	sadd.s32 s8, s0;
	s8 =	ssub.s32 s11, s17;
	[dreg:$0x5] =	wrdreg s1  }
0x11: {  	s6 =	sor.u32 $0x1C07, s20;
	[dreg:$0x6] =	wrdreg s21;
	s9 =	sadd.s32 s10, s7  }
0x12: {  	[dreg:$0x7] =	wrdreg s22;
	s1 =	sadd.s32 $0x200, s24;
	s17 =	sshrl.u32 s12, $0x3  }
0x13: {  	s11 =	simm.s32 $0x14200;
	s21 =	simm.s32 $0x14000;
	s23 =	sadd.s32 $0x10, s9  }
0x14: {  	s22 =	simm.s32 $0x14080;
	s25 =	sadd.s32 $0x20, s9;
	[dreg:$0x8] =	wrdreg s23  }
0x15: {  	s26 =	sadd.s32 $0x30, s9;
	s0 =	sadd.s32 $0x35400, s0;
	[dreg:$0x9] =	wrdreg s25  }
0x16: {  	s28 =	smax.u32 s8, $0x1;
	s30 =	sshrl.u32 s1, $0x3;
	[dreg:$0xa] =	wrdreg s26  }
0x17: {  	s8 =	simm.s32 $0x16A80;
	s1 =	simm.s32 $0x1;
	[dreg:$0xb] =	wrdreg s0  }
0x18: {  	[dreg:$0xc] =	wrdreg s28;
	s10 =	sadd.s32 s30, s10;
	s25 =	simm.s32 $0x3  }
0x19: {  	s26 =	simm.s32 $0x80;
	s0 =	simm.s32 $0x1EB00;
	s23 =	simm.s32 $0x0  }
.LBB2_1:
0x1a: {  	s5 =	rddreg [dreg:$0x4]  }
0x1b: {  	[spmem:s17], [sflag:s6] =	dma.local [hbm:s5], $0x2800  }
0x1c: {  	_ =	swait.ge [sflag:s18], $0x2800  }
0x1d: {  	[sflag:s18] =	ssyncset.done $0x0  }
0x1e: {  	s5 =	simm.s32 $0x14280;
	s7 =	rddreg [dreg:$0x5];
	[sflag:s18] =	ssyncadd.s32 $0xFFFFD800  }
0x1f: {  	[tilespmem:s5], [sflag:$0x7] =	stream.linear.gather [hbm4b:s7+s3], $0x2700, $0x38;
	[tilespmem:$0x1F300] =	vst v63  }
0x20: {  	_ =	swait.ge [sflag:s18], $0x2700  }
0x21: {  	[sflag:s18] =	ssyncset.done $0x0  }
0x22: {  	s24 =	rddreg [dreg:$0x6];
	[sflag:s18] =	ssyncadd.s32 $0xFFFFD900  }
0x23: {  	[tilespmem:s8], [sflag:$0x7] =	stream.linear.gather [hbm4b:s24+s3], $0x80, $0x38;
	[tilespmem:$0x1F300] =	vst v63  }
0x24: {  	_ =	swait.ge [sflag:s18], $0x80  }
0x25: {  	[sflag:s18] =	ssyncset.done $0x0  }
0x26: {  	s8 =	rddreg [dreg:$0x7];
	[sflag:s18] =	ssyncadd.s32 $0xFFFFFF80  }
0x27: {  	[tilespmem:s11], [sflag:$0x7] =	stream.linear.gather [hbm4b:s8+s3], $0x80, $0x38;
	[tilespmem:$0x1F300] =	vst v63  }
0x28: {  	_ =	swait.ge [sflag:s18], $0x80  }
0x29: {  	[sflag:s18] =	ssyncset.done $0x0  }
0x2a: {  	[sflag:s18] =	ssyncadd.s32 $0xFFFFFF80  }
0x2b: {  	[tilespmem:s21], [sflag:$0x3] =	stream.linear.gather [hbm4b:s9+s3], $0x80, $0x38;
	[tilespmem:$0x1F300] =	vst v63  }
0x2c: {  	s12 =	rddreg [dreg:$0x8]  }
0x2d: {  	[tilespmem:s22], [sflag:$0x4] =	stream.linear.gather [hbm4b:s12+s3], $0x80, $0x38;
	[tilespmem:$0x1F300] =	vst v63  }
0x2e: {  	s14 =	simm.s32 $0x14100;
	s13 =	rddreg [dreg:$0x9]  }
0x2f: {  	[tilespmem:s14], [sflag:$0x5] =	stream.linear.gather [hbm4b:s13+s3], $0x80, $0x38;
	[tilespmem:$0x1F300] =	vst v63  }
0x30: {  	s16 =	simm.s32 $0x14180;
	s15 =	rddreg [dreg:$0xa]  }
0x31: {  	[tilespmem:s16], [sflag:$0x6] =	stream.linear.gather [hbm4b:s15+s3], $0x80, $0x38;
	[tilespmem:$0x1F300] =	vst v63  }
0x32: {  	[bflag:$0x0] =	sbarrier.arrive $0xFFFF  }
0x33: {  	_ =	swait.ge [sflag:s25], $0x80  }
0x34: {  	[sflag:s25] =	ssyncset.done $0x0  }
0x35: {  	s19 =	simm.s32 $0x16B00;
	[sflag:s25] =	ssyncadd.s32 $0xFFFFFF80  }
0x36: {  	[tilespmem:s19], [sflag:$0x1] =	stream.indirect.gather [hbm4b:s4+s26], $0x80, s21, s26, $0xb8;
	[tilespmem:$0x1F300] =	vst v63  }
0x37: {  	_ =	swait.ge [sflag:s29], $0x80  }
0x38: {  	s24 =	sand.u32 $0x1, s3;
	[sflag:s29] =	ssyncset.done $0x0  }
0x39: {  	s20 =	simm.s32 $0x1AB00;
	s8 =	sadd.s32 $0x1, s24;
	[sflag:s29] =	ssyncadd.s32 $0xFFFFFF80  }
0x3a: {  	[tilespmem:s20], [sflag:$0x2] =	stream.indirect.gather [hbm4b:s4+s26], $0x80, s22, s26, $0xb8;
	[tilespmem:$0x1F300] =	vst v63  }
0x3b: {  	_ =	swait.ge [sflag:s8], $0x4000  }
0x3c: {  	p1 =	por $0x0, $0x0;
	s7 =	sshll.u32 s24, $0xE;
	[sflag:s8] =	ssyncset.done $0x0  }
0x3d: {  	s28 =	sadd.s32 $0x10, s10;
	s7 =	sadd.s32 $0x16B00, s7;
	[sflag:s8] =	ssyncadd.s32 $0xFFFFC000  }
0x3e: {  	[spmem:s2] =	stream.indirect.scatter.add.f32 [tilespmem:s7], [sflag:$0x7], $0x80, s5, s26, $0xb8;
	[tilespmem:$0x1F300] =	vst v63  }
0x3f: {  	p0 =	por @!p1 $0x0, $0x0;
	s11 =	sand.u32 @!p1 $0x3, s3;
	_ =	swait.ge [sflag:s18], $0x4000  }
0x40: {  	p0 =	por p0, p1;
	s12 =	sxor.u32 @!p1 $0x2, s11;
	[sflag:s18] =	ssyncset.done $0x0  }
0x41: {  	s24 =	simm.s32 $0x1;
	s13 =	sadd.s32 @!p1 $0x3, s12;
	[sflag:s18] =	ssyncadd.s32 $0xFFFFC000  }
0x42: {  	s30 =	sand.u32 $0x1, s24;
	s12 =	sshll.u32 @!p1 s12, $0x7;
	_ =	swait.ge @!p1 [sflag:s13], $0x80  }
0x43: {  	s12 =	sor.u32 @!p1 $0x14000, s12;
	s16 =	sshll.u32 @!p0 s11, $0x7;
	[sflag:s13] =	ssyncset.done @!p1 $0x0  }
0x44: {  	s11 =	sadd.s32 @!p0 $0x3, s11;
	[sflag:s13] =	ssyncadd.s32 @!p1 $0xFFFFFF80;
	s13 =	simm.s32 @!p1 $0x80  }
0x45: {  	[tilespmem:s7], [sflag:s8] =	stream.indirect.gather @!p1 [hbm4b:s4+s13], $0x80, s12, s13, $0xb8;
	[tilespmem:$0x1F300] =	vst v63  }
0x46: {  	s5 =	simm.s32 $0x2;
	s8 =	sshll.u32 s30, $0xE;
	s12 =	sor.u32 @!p0 $0x14000, s16  }
0x47: {  	s13 =	simm.s32 @!p0 $0x0;
	s7 =	simm.s32 $0x14300;
	s16 =	smov.u32 s10  }
.LBB2_2:
0x48: {  	[tilespmem:s12], [sflag:s11] =	stream.linear.gather @!p0 [hbm4b:s16+s13], $0x80, $0x38;
	[tilespmem:$0x1F300] =	vst v63  }
0x49: {  	s11 =	smov.u32 s24;
	s24 =	smov.u32 s5;
	s12 =	smov.u32 s8  }
0x4a: {  	s5 =	sadd.s32 $0x1, s5;
	s13 =	sadd.s32 $0x1, s30;
	s30 =	sand.u32 $0x1, s24  }
0x4b: {  	p1 =	sne.s32 s5, $0x4E;
	s8 =	sshll.u32 s30, $0xE;
	_ =	swait.ge [sflag:s13], $0x4000  }
0x4c: {  	s16 =	smov.u32 s28;
	[sflag:s13] =	ssyncset.done $0x0  }
0x4d: {  	s14 =	sadd.s32 $0x16B00, s12;
	p2 =	sgt.u32 s11, $0x4B;
	[sflag:s13] =	ssyncadd.s32 $0xFFFFC000  }
0x4e: {  	[spmem:s2] =	stream.indirect.scatter.add.f32 [tilespmem:s14], [sflag:$0x7], $0x80, s7, s26, $0xb8;
	[tilespmem:$0x1F300] =	vst v63  }
0x4f: {  	s12 =	sand.u32 @!p2 $0x3, s11;
	p0 =	sgt.u32 @!p2 s11, $0x49;
	_ =	swait.ge [sflag:s18], $0x4000  }
0x50: {  	s11 =	sxor.u32 @!p2 $0x2, s12;
	p0 =	por p0, p2;
	[sflag:s18] =	ssyncset.done $0x0  }
0x51: {  	s15 =	sadd.s32 @!p2 $0x3, s11;
	s11 =	sshll.u32 @!p2 s11, $0x7;
	[sflag:s18] =	ssyncadd.s32 $0xFFFFC000  }
.Ltmp0:
0x52: {  	s19 =	sor.u32 @!p2 $0x14000, s11;
	_ =	swait.ge @!p2 [sflag:s15], $0x80;
	(pc) =	sbr.rel @p1 .LBB2_2-.Ltmp0, $4  }
0x53: {  	s20 =	sshll.u32 @!p0 s12, $0x7;
	s11 =	sadd.s32 @!p0 $0x3, s12;
	[sflag:s15] =	ssyncset.done @!p2 $0x0  }
0x54: {  	s12 =	sor.u32 @!p0 $0x14000, s20;
	[sflag:s15] =	ssyncadd.s32 @!p2 $0xFFFFFF80;
	s15 =	simm.s32 @!p2 $0x80  }
0x55: {  	[tilespmem:s14], [sflag:s13] =	stream.indirect.gather @!p2 [hbm4b:s4+s15], $0x80, s19, s15, $0xb8;
	[tilespmem:$0x1F300] =	vst v63  }
0x56: {  	s28 =	sadd.s32 $0x10, s28;
	s7 =	sadd.s32 $0x80, s7;
	s13 =	simm.s32 @!p0 $0x0  }
0x57: {  	[tilespmem:s12], [sflag:s11] =	stream.linear.gather @!p0 [hbm4b:s16+s13], $0x80, $0x38;
	[tilespmem:$0x1F300] =	vst v63  }
0x58: {  	s5 =	sadd.s32 $0x1, s30  }
0x59: {  	_ =	swait.ge [sflag:s5], $0x4000  }
0x5a: {  	[sflag:s5] =	ssyncset.done $0x0  }
0x5b: {  	s8 =	sadd.s32 $0x16B00, s8;
	p0 =	sgt.u32 s24, $0x4B;
	[sflag:s5] =	ssyncadd.s32 $0xFFFFC000  }
0x5c: {  	[spmem:s2] =	stream.indirect.scatter.add.f32 [tilespmem:s8], [sflag:$0x7], $0x80, s7, s26, $0xb8;
	[tilespmem:$0x1F300] =	vst v63  }
0x5d: {  	s7 =	sand.u32 @!p0 $0x3, s24;
	_ =	swait.ge [sflag:s18], $0x4000  }
0x5e: {  	s11 =	sxor.u32 @!p0 $0x2, s7;
	[sflag:s18] =	ssyncset.done $0x0  }
0x5f: {  	p1 =	sgt.u32 @!p0 s24, $0x49;
	s12 =	sadd.s32 @!p0 $0x3, s11;
	[sflag:s18] =	ssyncadd.s32 $0xFFFFC000  }
0x60: {  	p1 =	por p1, p0;
	_ =	swait.ge @!p0 [sflag:s12], $0x80  }
0x61: {  	s13 =	sshll.u32 @!p1 s7, $0x7;
	s11 =	sshll.u32 @!p0 s11, $0x7;
	[sflag:s12] =	ssyncset.done @!p0 $0x0  }
0x62: {  	s11 =	sor.u32 @!p0 $0x14000, s11;
	[sflag:s12] =	ssyncadd.s32 @!p0 $0xFFFFFF80;
	s12 =	simm.s32 @!p0 $0x80  }
0x63: {  	[tilespmem:s8], [sflag:s5] =	stream.indirect.gather @!p0 [hbm4b:s4+s12], $0x80, s11, s12, $0xb8;
	[tilespmem:$0x1F300] =	vst v63  }
0x64: {  	s5 =	sadd.s32 @!p1 $0x3, s7;
	s7 =	sor.u32 @!p1 $0x14000, s13;
	s8 =	simm.s32 @!p1 $0x0  }
0x65: {  	[tilespmem:s7], [sflag:s5] =	stream.linear.gather @!p1 [hbm4b:s28+s8], $0x80, $0x38;
	[tilespmem:$0x1F300] =	vst v63  }
0x66: {  	s11 =	simm.s32 $0x14200  }
0x67: {  	[tilespmem:s0], [sflag:$0x1] =	stream.indirect.gather [hbm4b:s4+s31], $0x80, s11, s31, $0xb8;
	[tilespmem:$0x1F300] =	vst v63  }
0x68: {  	_ =	swait.ge [sflag:s1], $0x800  }
0x69: {  	[sflag:s1] =	ssyncset.done $0x0  }
0x6a: {  	s8 =	simm.s32 $0x16A80;
	[sflag:s1] =	ssyncadd.s32 $0xFFFFF800  }
0x6b: {  	[spmem:s2] =	stream.indirect.scatter.add.f32 [tilespmem:s0], [sflag:$0x7], $0x80, s8, s31, $0xb8;
	[tilespmem:$0x1F300] =	vst v63  }
0x6c: {  	_ =	swait.ge [sflag:s18], $0x800  }
0x6d: {  	[sflag:s18] =	ssyncset.done $0x0  }
0x6e: {  	[sflag:s18] =	ssyncadd.s32 $0xFFFFF800  }
0x6f: {  	[bflag:$0x0] =	sbarrier.arrive $0xFFFF  }
0x70: {  	s28 =	rddreg [dreg:$0xb]  }
0x71: {  	[hbm:s28], [sflag:s6] =	dma.local [spmem:s17], $0x2800  }
0x72: {  	_ =	swait.ge [sflag:s18], $0x2800  }
0x73: {  	s23 =	sadd.s32 $0x1, s23;
	s30 =	rddreg [dreg:$0xc]  }
0x74: {  	p0 =	sne.s32 s23, s30  }
.Ltmp1:
0x75: {  	_ = 	snop;
	(pc) =	sbr.rel @p0 .LBB2_1-.Ltmp1, $3  }
0x76: {  	_ =	sdelay $0x1  }
0x77: {  	[sflag:s18] =	ssyncset.done $0x0  }
0x78: {  	[sflag:s18] =	ssyncadd.s32 $0xFFFFD800  }
0x79: {  	_ =	sfence.sel $0x180000  }
0x7a: {  	[bflag:$0x0] =	sbarrier.arrive $0xFFFF  }
0x7b: {  	_ =	strace $0x9000004A  }
0x7c: {  	s0 =	stileid.u32;
	[bflag:$0x2] =	sbarrier.arrive $0xFFFF  }
0x7d: {  	p0 =	sne.s32 s0, $0x0;
	s0 =	rddreg [dreg:$0x3]  }
0x7e: {  	s0 =	sadd.s32 @!p0 $0x100000, s0  }
0x7f: {  	[sflag:s0] =	ssyncadd.tile.s32 @!p0 $0x1;
	_ =	shalt  }
.Lfunc_end2:
_tile_overlayer_lowered:
.L_overlay_start_2:
0x80: {  	(tag) =	ssettag $0x2  }
0x81: {  	s0 =	rddreg [dreg:$0x0];
	s2 =	stileid.u32  }
0x82: {  	s1 =	rddreg [dreg:$0x1];
	p0 =	sne.s32 s2, $0x0  }
0x83: {  	s3 =	rddreg [dreg:$0x2];
	[bflag:$0x3] =	sbarrier.arrive $0xFFFF;
	s2 =	simm.s32 @!p0 $0x1C07  }
0x84: {  	[timem:s3], [sflag:s2] =	dma.local @!p0 [hbm:s0], s1  }
0x85: {  	s0 =	simm.s32 @!p0 $0x7  }
0x86: {  	_ =	swait.ge @!p0 [sflag:s0], s1  }
0x87: {  	s1 =	ssub.s32 @!p0 $0x0, s1;
	[sflag:s0] =	ssyncset.done @!p0 $0x0  }
0x88: {  	[sflag:s0] =	ssyncadd.s32 @!p0 s1  }
0x89: {  	[bflag:$0x3] =	sbarrier.arrive $0xFFFF  }
0x8a: {  	_ =	shalt  }

// kernel: kernel.14.cloned.1.call-start
scs
__scs_entry_jumppad:
0x0: {  	(pc) =	sbr.rel $0x88, $3  }
0x1: {  	(tag) =	ssettag $0x0;
	lr =	simm.s32 $0x1  }
0x2: {  	[smem:$0x3F9B] =	sst lr;
	_ =	strace $0xD0000000  }
0x3: {  	_ = 	snop  }
0x4: {  	_ = 	snop  }
0x5: {  	_ = 	snop  }
0x6: {  	_ = 	snop  }
0x7: {  	_ = 	snop  }
__scs_overlays_trampoline_lowered:
0x8: {  	[smem:$0x3FAA] =	sst s0  }
0x9: {  	[smem:$0x3FAB] =	sst s1  }
0xa: {  	[smem:$0x3FAC] =	sst s2  }
0xb: {  	[smem:$0x3FAD] =	sst s3  }
0xc: {  	[smem:$0x3FAE] =	sst s4  }
0xd: {  	[smem:$0x3FAF] =	sst s5  }
0xe: {  	[smem:$0x3FB0] =	sst s6  }
0xf: {  	[smem:$0x3FB1] =	sst s7  }
0x10: {  	[smem:$0x3FB2] =	sst s8  }
0x11: {  	[smem:$0x3FB3] =	sst s9;
	s0 =	simm.s32 @!p0 $0x0  }
0x12: {  	s1 =	sld [smem:$0x3F99];
	s0 =	simm.s32 @p0 $0x1  }
0x13: {  	[smem:$0x3FB4] =	sst s0;
	s0 =	simm.s32 @!p1 $0x0  }
0x14: {  	s2 =	sld [smem:$0x3F98];
	s0 =	simm.s32 @p1 $0x1  }
0x15: {  	[smem:$0x3FB5] =	sst s0;
	s0 =	simm.s32 @!p2 $0x0  }
0x16: {  	s3 =	sld [smem:$0x3FDB];
	s0 =	simm.s32 @p2 $0x1  }
0x17: {  	s4 =	simm.s32 $0x1BF5;
	[smem:$0x3FB7] =	sst s0  }
0x18: {  	s0 =	sld [smem:$0x3F9A];
	_ =	swait.ge [sflag:s4], $0x0  }
0x19: {  	s7 =	sld [smem:$0x3F9B]  }
0x1a: {  	s8 =	sadd.s32 $0xFFFFE003, lr  }
0x1b: {  	s9 =	sadd.s32 $0xFFFFFEF7, lr;
	s5 =	simm.s32 $0xFFFFFFFF;
	p2 =	slt.u32 s8, $0xFFFFF086  }
0x1c: {  	p1 =	slt.u32 s9, $0xF7A;
	s5 =	simm.s32 @!p2 $0x0  }
0x1d: {  	s5 =	simm.s32 @p1 $0x1;
	p0 =	seq.s32 s7, s2  }
0x1e: {  	s7 =	smul.u32 @!p0 $0xF7A, s2;
	p2 =	seq.s32 @!p0 s5, $0x0  }
0x1f: {  	s9 =	smul.u32 $0xF7A, s1;
	s8 =	simm.s32 @!p0 $0x1BF5;
	p2 =	por !p2, p0  }
0x20: {  	[sflag:s8] =	ssyncset.s32 @!p0 $0xFFFFF086;
	s6 =	sadd.s32 @!p0 s3, s7;
	s7 =	simm.s32 @!p0 $0x108  }
0x21: {  	s3 =	sadd.s32 s3, s9;
	s6 =	sadd.s32 @!p0 $0x88, s6;
	s7 =	simm.s32 @p2 $0x1082  }
0x22: {  	[simem:s7], [sflag:s8] =	dma.local @!p0 [hbm:s6], $0xF7A  }
0x23: {  	s9 =	sor.u32 $0xD0000000, s2;
	s6 =	simm.s32 $0x108;
	_ =	swait.ge @!p0 [sflag:s8], $0x0  }
0x24: {  	s3 =	sadd.s32 $0x88, s3;
	s6 =	simm.s32 @!p1 $0x1082;
	[sflag:s4] =	ssyncset.s32 $0xFFFFF086  }
0x25: {  	[simem:s6], [sflag:s4] =	dma.local [hbm:s3], $0xF7A  }
0x26: {  	[smem:$0x3F9B] =	sst s1;
	(tag) =	ssettag s2;
	_ =	strace s9  }
0x27: {  	s1 =	sld [smem:$0x3FAB]  }
0x28: {  	s2 =	sld [smem:$0x3FAC]  }
0x29: {  	s4 =	sld [smem:$0x3FAE]  }
0x2a: {  	p0 =	seq.s32 s5, $0x0;
	s5 =	sld [smem:$0x3FAF]  }
0x2b: {  	s6 =	sld [smem:$0x3FB0]  }
0x2c: {  	s7 =	sld [smem:$0x3FB1]  }
0x2d: {  	s3 =	simm.s32 $0x108;
	s8 =	sld [smem:$0x3FB2]  }
0x2e: {  	s3 =	simm.s32 @!p0 $0x1082;
	s9 =	sld [smem:$0x3FB3]  }
0x2f: {  	lr =	sadd.s32 s0, s3;
	s0 =	sld [smem:$0x3FAA]  }
0x30: {  	s3 =	sld [smem:$0x3FAD]  }
0x31: {  	[smem:$0x3FB6] =	sst s10  }
0x32: {  	s10 =	sld [smem:$0x3FB4];
	_ =	sdelay $0x3  }
0x33: {  	p0 =	seq.s32 s10, $0x1;
	s10 =	sld [smem:$0x3FB6];
	_ =	sdelay $0x3  }
0x34: {  	[smem:$0x3FB6] =	sst s10  }
0x35: {  	s10 =	sld [smem:$0x3FB5];
	_ =	sdelay $0x3  }
0x36: {  	p1 =	seq.s32 s10, $0x1;
	s10 =	sld [smem:$0x3FB6];
	_ =	sdelay $0x3  }
0x37: {  	[smem:$0x3FB6] =	sst s10  }
0x38: {  	s10 =	sld [smem:$0x3FB7]  }
0x39: {  	_ = 	snop;
	(pc) =	sbr.ind lr, $3  }
0x3a: {  	_ = 	snop  }
0x3b: {  	_ = 	snop  }
0x3c: {  	p2 =	seq.s32 s10, $0x1;
	s10 =	sld [smem:$0x3FB6]  }
0x3d: {  	_ =	shalt  }
0x3e: {  	_ =	shalt  }
0x3f: {  	_ =	shalt  }
0x40: {  	_ =	shalt  }
0x41: {  	_ =	shalt  }
0x42: {  	_ =	shalt  }
0x43: {  	_ =	shalt  }
0x44: {  	_ =	shalt  }
0x45: {  	_ =	shalt  }
0x46: {  	_ =	shalt  }
0x47: {  	_ =	shalt  }
0x48: {  	_ =	shalt  }
0x49: {  	_ =	shalt  }
0x4a: {  	_ =	shalt  }
0x4b: {  	_ =	shalt  }
0x4c: {  	_ =	shalt  }
0x4d: {  	_ =	shalt  }
0x4e: {  	_ =	shalt  }
0x4f: {  	_ =	shalt  }
0x50: {  	_ =	shalt  }
0x51: {  	_ =	shalt  }
0x52: {  	_ =	shalt  }
0x53: {  	_ =	shalt  }
0x54: {  	_ =	shalt  }
0x55: {  	_ =	shalt  }
0x56: {  	_ =	shalt  }
0x57: {  	_ =	shalt  }
0x58: {  	_ =	shalt  }
0x59: {  	_ =	shalt  }
0x5a: {  	_ =	shalt  }
0x5b: {  	_ =	shalt  }
0x5c: {  	_ =	shalt  }
0x5d: {  	_ =	shalt  }
0x5e: {  	_ =	shalt  }
0x5f: {  	_ =	shalt  }
0x60: {  	_ =	shalt  }
0x61: {  	_ =	shalt  }
0x62: {  	_ =	shalt  }
0x63: {  	_ =	shalt  }
0x64: {  	_ =	shalt  }
0x65: {  	_ =	shalt  }
0x66: {  	_ =	shalt  }
0x67: {  	_ =	shalt  }
0x68: {  	_ =	shalt  }
0x69: {  	_ =	shalt  }
0x6a: {  	_ =	shalt  }
0x6b: {  	_ =	shalt  }
0x6c: {  	_ =	shalt  }
0x6d: {  	_ =	shalt  }
0x6e: {  	_ =	shalt  }
0x6f: {  	_ =	shalt  }
0x70: {  	_ =	shalt  }
0x71: {  	_ =	shalt  }
0x72: {  	_ =	shalt  }
0x73: {  	_ =	shalt  }
0x74: {  	_ =	shalt  }
0x75: {  	_ =	shalt  }
0x76: {  	_ =	shalt  }
0x77: {  	_ =	shalt  }
0x78: {  	_ =	shalt  }
0x79: {  	_ =	shalt  }
0x7a: {  	_ =	shalt  }
0x7b: {  	_ =	shalt  }
0x7c: {  	_ =	shalt  }
0x7d: {  	_ =	shalt  }
0x7e: {  	_ =	shalt  }
0x7f: {  	_ =	shalt  }
0x80: {  	_ =	shalt  }
0x81: {  	_ =	shalt  }
0x82: {  	_ =	shalt  }
0x83: {  	_ =	shalt  }
0x84: {  	_ =	shalt  }
0x85: {  	_ =	shalt  }
0x86: {  	_ =	shalt  }
0x87: {  	_ =	shalt  }
.Lfunc_end0:
.L_simem_size_0:
called_computation.2_lowered:
.L_overlay_start_0:
0x88: {  	s2 =	sld [smem:$0x3FD9]  }
0x89: {  	s3 =	sld [smem:$0x3FFE];
	_ =	sdelay $0x1  }
0x8a: {  	s1 =	srdreg.scid  }
0x8b: {  	s0 =	sand.u32 $0x1, s1  }
0x8c: {  	s17 =	sshll.u32 s0, $0xA;
	s2 =	sadd.s32 s3, s2  }
0x8d: {  	s2 =	sadd.s32 s2, s17  }
0x8e: {  	[smem:$0x3FC2] =	sst s2  }
0x8f: {  	_ = 	snop  }
0x90: {  	s2 =	sld [smem:$0x3FD0];
	(tm) =	ssettm $0x1  }
0x91: {  	s18 =	sld [smem:$0x3FFB];
	_ =	sdelay $0x3  }
0x92: {  	_ =	strace s18  }
0x93: {  	s3 =	sld [smem:$0x3FFC];
	_ =	sdelay $0x3  }
0x94: {  	_ =	strace s3  }
0x95: {  	s3 =	sld [smem:$0x3FFD];
	_ =	sdelay $0x3  }
0x96: {  	_ =	strace s3  }
0x97: {  	_ =	strace $0x8FFFFFFF  }
0x98: {  	s19 =	sld [smem:$0x3FDB];
	_ =	sdelay $0x1  }
0x99: {  	s4 =	simm.s32 $_scs_section_size  }
0x9a: {  	s5 =	simm.s32 $_size__tile_overlayer_lowered;
	s6 =	simm.s32 $_tile_overlayer_lowered  }
0x9b: {  	s22 =	simm.s32 $0x1BFF;
	s21 =	sshll.u32 s6, $0x1;
	s3 =	sadd.s32 s4, s19  }
0x9c: {  	s7 =	simm.s32 $0x0;
	s20 =	sshll.u32 s5, $0x1;
	s5 =	sadd.s32 s21, s3  }
0x9d: {  	[timem:s7], [sflag:s22] =	dma.local [hbm:s5], s20  }
0x9e: {  	_ =	swait.ge [sflag:s22], s20  }
0x9f: {  	s4 =	ssub.s32 $0x0, s20;
	[sflag:s22] =	ssyncset.done $0x0  }
0xa0: {  	[sflag:s22] =	ssyncadd.s32 s4;
	_ =	sdelay $0x1  }
0xa1: {  	s23 =	simm.s32 $0x1B8B  }
0xa2: {  	_ =	swait.ge [sflag:s23], $0x1  }
0xa3: {  	[sflag:s23] =	ssyncset.done $0x0  }
0xa4: {  	s25 =	simm.s32 $0x1B8E;
	s24 =	sld [smem:$0x3FFE];
	[sflag:s23] =	ssyncadd.s32 $0xFFFFFFFF  }
0xa5: {  	s26 =	simm.s32 $execute0_lowered;
	[smem:$0x3FD2] =	sst s25  }
0xa6: {  	s5 =	sshll.u32 s26, $0x1;
	_ =	strace $0x8000004C;
	[dreg:$0x1] =	wrdreg $0xFFFFFFFF  }
0xa7: {  	s28 =	simm.s32 $_size_execute0_lowered;
	s3 =	sadd.s32 s3, s5;
	[dreg:$0x0] =	wrdreg $0x0  }
0xa8: {  	s5 =	sshll.u32 s28, $0x1;
	[dreg:$0x2] =	wrdreg s3  }
0xa9: {  	[dreg:$0x3] =	wrdreg s5  }
0xaa: {  	[dreg:$0x4] =	wrdreg $0xC0  }
0xab: {  	_ =	task [dreg:s7], $0x5FFFF  }
0xac: {  	[dreg:$0x1] =	wrdreg $0xFFFFFFFF  }
0xad: {  	[dreg:$0x0] =	wrdreg $0x60  }
0xae: {  	[dreg:$0x2] =	wrdreg s24  }
0xaf: {  	[dreg:$0x3] =	wrdreg s2  }
0xb0: {  	[dreg:$0x4] =	wrdreg $0x0  }
0xb1: {  	[dreg:$0x5] =	wrdreg $0x9  }
0xb2: {  	_ =	task.clear_ibuf [dreg:s7], $0x6FFFF;
	_ =	strace $0x9000004C  }
0xb3: {  	s29 =	simm.s32 $0x9;
	_ =	strace $0x8000004E  }
0xb4: {  	_ =	swait.ge [sflag:s29], $0x1  }
0xb5: {  	[sflag:s29] =	ssyncadd.s32 $0xFFFFFFFF  }
0xb6: {  	_ =	strace $0x9000004E  }
0xb7: {  	_ =	sfence  }
0xb8: {  	s30 =	sld [smem:$0x0];
	_ =	sdelay $0x2  }
0xb9: {  	s31 =	sshll.u32 s1, $0xD;
	s1 =	sshrl.u32 s1, $0x2  }
0xba: {  	s3 =	sand.u32 $0x4000, s31;
	s1 =	sadd.s32 s1, s30  }
0xbb: {  	s0 =	sor.u32 s3, s0;
	s1 =	sshll.u32 s1, $0x11  }
0xbc: {  	s0 =	sor.u32 s1, s0  }
0xbd: {  	s0 =	sadd.s32 $0x8F2B, s0  }
0xbe: {  	[sflag:s0] =	ssyncadd.remote.s32 $0x1  }
0xbf: {  	_ =	sfence.sel $0xFFFF  }
0xc0: {  	[dreg:$0x0] =	wrdreg $0xFFFFFFFF;
	(pc) =	sbr.abs _section_cstart, $3  }
0xc1: {  	[dreg:$0x1] =	wrdreg $0xFFFFFFFF  }
0xc2: {  	_ =	task.clear_ibuf [dreg:s7], $0x2FFFF;
	_ =	strace $0x9FFFFFFF  }
0xc3: {  	(tm) =	ssettm $0x7FFFFFFF  }
tec
execute0_lowered:
.L_overlay_start_1:
0x0: {  	(tag) =	ssettag $0x1  }
0x1: {  	s0 =	rddreg [dreg:$0x0]  }
0x2: {  	s1 =	rddreg [dreg:$0x1]  }
0x3: {  	s2 =	rddreg [dreg:$0x2];
	s4 =	srdreg.scid  }
0x4: {  	s14 =	stileid.u32;
	s3 =	simm.s32 $0x0;
	s29 =	simm.s32 $0x4  }
0x5: {  	s31 =	simm.s32 $0x10;
	s5 =	sand.u32 $0x1, s4;
	s6 =	smul.u32 $0x14000, s14  }
0x6: {  	[smem:$0x7FF] =	sst s3;
	s7 =	sshll.u32 s14, $0x1;
	s12 =	smul.u32 $0x50000, s14  }
0x7: {  	s4 =	sadd.s32 $0xD400, s0;
	s20 =	sshll.u32 s14, $0x6;
	s14 =	smul.u32 $0x4E20, s14  }
0x8: {  	s10 =	sadd.s32 $0x2200, s0;
	s8 =	smul.u32 $0x140000, s5;
	_ =	strace $0x8000004D  }
0x9: {  	s7 =	sor.u32 s5, s7;
	s11 =	ssub.s32 $0x2, s5;
	s5 =	smul.u32 $0x2710, s5  }
0xa: {  	s9 =	sshll.u32 s7, $0x4;
	s17 =	sshrl.u32 s11, $0x1;
	s19 =	smul.u32 $0x500, s7  }
0xb: {  	s18 =	sshrl.u32 s12, $0x2;
	s7 =	smul.u32 $0x2710, s7;
	s8 =	sadd.s32 s6, s8  }
0xc: {  	s13 =	sadd.s32 s9, s0;
	s12 =	sadd.s32 s18, s2;
	s6 =	sshrl.u32 s6, $0x3  }
0xd: {  	s24 =	sadd.s32 s5, s14;
	s18 =	simm.s32 $0x7;
	s8 =	sshrl.u32 s8, $0x3  }
0xe: {  	s6 =	sadd.s32 s4, s6;
	s7 =	sshrl.u32 s7, $0x3;
	s1 =	sadd.s32 s1, s19  }
0xf: {  	s21 =	sadd.s32 $0xC000, s13;
	s22 =	sadd.s32 $0xD200, s13;
	[dreg:$0x4] =	wrdreg s6  }
0x10: {  	s0 =	sadd.s32 s8, s0;
	s8 =	ssub.s32 s11, s17;
	[dreg:$0x5] =	wrdreg s1  }
0x11: {  	s6 =	sor.u32 $0x1C07, s20;
	[dreg:$0x6] =	wrdreg s21;
	s9 =	sadd.s32 s10, s7  }
0x12: {  	[dreg:$0x7] =	wrdreg s22;
	s1 =	sadd.s32 $0x200, s24;
	s17 =	sshrl.u32 s12, $0x3  }
0x13: {  	s11 =	simm.s32 $0x14200;
	s21 =	simm.s32 $0x14000;
	s23 =	sadd.s32 $0x10, s9  }
0x14: {  	s22 =	simm.s32 $0x14080;
	s25 =	sadd.s32 $0x20, s9;
	[dreg:$0x8] =	wrdreg s23  }
0x15: {  	s26 =	sadd.s32 $0x30, s9;
	s0 =	sadd.s32 $0x35400, s0;
	[dreg:$0x9] =	wrdreg s25  }
0x16: {  	s28 =	smax.u32 s8, $0x1;
	s30 =	sshrl.u32 s1, $0x3;
	[dreg:$0xa] =	wrdreg s26  }
0x17: {  	s8 =	simm.s32 $0x16A80;
	s1 =	simm.s32 $0x1;
	[dreg:$0xb] =	wrdreg s0  }
0x18: {  	[dreg:$0xc] =	wrdreg s28;
	s10 =	sadd.s32 s30, s10;
	s25 =	simm.s32 $0x3  }
0x19: {  	s26 =	simm.s32 $0x80;
	s0 =	simm.s32 $0x1EB00;
	s23 =	simm.s32 $0x0  }
.LBB2_1:
0x1a: {  	s5 =	rddreg [dreg:$0x4]  }
0x1b: {  	[spmem:s17], [sflag:s6] =	dma.local [hbm:s5], $0x2800  }
0x1c: {  	_ =	swait.ge [sflag:s18], $0x2800  }
0x1d: {  	[sflag:s18] =	ssyncset.done $0x0  }
0x1e: {  	s5 =	simm.s32 $0x14280;
	s7 =	rddreg [dreg:$0x5];
	[sflag:s18] =	ssyncadd.s32 $0xFFFFD800  }
0x1f: {  	[tilespmem:s5], [sflag:$0x7] =	stream.linear.gather [hbm4b:s7+s3], $0x2700, $0x38;
	[tilespmem:$0x1F300] =	vst v63  }
0x20: {  	_ =	swait.ge [sflag:s18], $0x2700  }
0x21: {  	[sflag:s18] =	ssyncset.done $0x0  }
0x22: {  	s24 =	rddreg [dreg:$0x6];
	[sflag:s18] =	ssyncadd.s32 $0xFFFFD900  }
0x23: {  	[tilespmem:s8], [sflag:$0x7] =	stream.linear.gather [hbm4b:s24+s3], $0x80, $0x38;
	[tilespmem:$0x1F300] =	vst v63  }
0x24: {  	_ =	swait.ge [sflag:s18], $0x80  }
0x25: {  	[sflag:s18] =	ssyncset.done $0x0  }
0x26: {  	s8 =	rddreg [dreg:$0x7];
	[sflag:s18] =	ssyncadd.s32 $0xFFFFFF80  }
0x27: {  	[tilespmem:s11], [sflag:$0x7] =	stream.linear.gather [hbm4b:s8+s3], $0x80, $0x38;
	[tilespmem:$0x1F300] =	vst v63  }
0x28: {  	_ =	swait.ge [sflag:s18], $0x80  }
0x29: {  	[sflag:s18] =	ssyncset.done $0x0  }
0x2a: {  	[sflag:s18] =	ssyncadd.s32 $0xFFFFFF80  }
0x2b: {  	[tilespmem:s21], [sflag:$0x3] =	stream.linear.gather [hbm4b:s9+s3], $0x80, $0x38;
	[tilespmem:$0x1F300] =	vst v63  }
0x2c: {  	s12 =	rddreg [dreg:$0x8]  }
0x2d: {  	[tilespmem:s22], [sflag:$0x4] =	stream.linear.gather [hbm4b:s12+s3], $0x80, $0x38;
	[tilespmem:$0x1F300] =	vst v63  }
0x2e: {  	s14 =	simm.s32 $0x14100;
	s13 =	rddreg [dreg:$0x9]  }
0x2f: {  	[tilespmem:s14], [sflag:$0x5] =	stream.linear.gather [hbm4b:s13+s3], $0x80, $0x38;
	[tilespmem:$0x1F300] =	vst v63  }
0x30: {  	s16 =	simm.s32 $0x14180;
	s15 =	rddreg [dreg:$0xa]  }
0x31: {  	[tilespmem:s16], [sflag:$0x6] =	stream.linear.gather [hbm4b:s15+s3], $0x80, $0x38;
	[tilespmem:$0x1F300] =	vst v63  }
0x32: {  	[bflag:$0x0] =	sbarrier.arrive $0xFFFF  }
0x33: {  	_ =	swait.ge [sflag:s25], $0x80  }
0x34: {  	[sflag:s25] =	ssyncset.done $0x0  }
0x35: {  	s19 =	simm.s32 $0x16B00;
	[sflag:s25] =	ssyncadd.s32 $0xFFFFFF80  }
0x36: {  	[tilespmem:s19], [sflag:$0x1] =	stream.indirect.gather [hbm4b:s4+s26], $0x80, s21, s26, $0xb8;
	[tilespmem:$0x1F300] =	vst v63  }
0x37: {  	_ =	swait.ge [sflag:s29], $0x80  }
0x38: {  	s24 =	sand.u32 $0x1, s3;
	[sflag:s29] =	ssyncset.done $0x0  }
0x39: {  	s20 =	simm.s32 $0x1AB00;
	s8 =	sadd.s32 $0x1, s24;
	[sflag:s29] =	ssyncadd.s32 $0xFFFFFF80  }
0x3a: {  	[tilespmem:s20], [sflag:$0x2] =	stream.indirect.gather [hbm4b:s4+s26], $0x80, s22, s26, $0xb8;
	[tilespmem:$0x1F300] =	vst v63  }
0x3b: {  	_ =	swait.ge [sflag:s8], $0x4000  }
0x3c: {  	p1 =	por $0x0, $0x0;
	s7 =	sshll.u32 s24, $0xE;
	[sflag:s8] =	ssyncset.done $0x0  }
0x3d: {  	s28 =	sadd.s32 $0x10, s10;
	s7 =	sadd.s32 $0x16B00, s7;
	[sflag:s8] =	ssyncadd.s32 $0xFFFFC000  }
0x3e: {  	[spmem:s2] =	stream.indirect.scatter.add.f32 [tilespmem:s7], [sflag:$0x7], $0x80, s5, s26, $0xb8;
	[tilespmem:$0x1F300] =	vst v63  }
0x3f: {  	p0 =	por @!p1 $0x0, $0x0;
	s11 =	sand.u32 @!p1 $0x3, s3;
	_ =	swait.ge [sflag:s18], $0x4000  }
0x40: {  	p0 =	por p0, p1;
	s12 =	sxor.u32 @!p1 $0x2, s11;
	[sflag:s18] =	ssyncset.done $0x0  }
0x41: {  	s24 =	simm.s32 $0x1;
	s13 =	sadd.s32 @!p1 $0x3, s12;
	[sflag:s18] =	ssyncadd.s32 $0xFFFFC000  }
0x42: {  	s30 =	sand.u32 $0x1, s24;
	s12 =	sshll.u32 @!p1 s12, $0x7;
	_ =	swait.ge @!p1 [sflag:s13], $0x80  }
0x43: {  	s12 =	sor.u32 @!p1 $0x14000, s12;
	s16 =	sshll.u32 @!p0 s11, $0x7;
	[sflag:s13] =	ssyncset.done @!p1 $0x0  }
0x44: {  	s11 =	sadd.s32 @!p0 $0x3, s11;
	[sflag:s13] =	ssyncadd.s32 @!p1 $0xFFFFFF80;
	s13 =	simm.s32 @!p1 $0x80  }
0x45: {  	[tilespmem:s7], [sflag:s8] =	stream.indirect.gather @!p1 [hbm4b:s4+s13], $0x80, s12, s13, $0xb8;
	[tilespmem:$0x1F300] =	vst v63  }
0x46: {  	s5 =	simm.s32 $0x2;
	s8 =	sshll.u32 s30, $0xE;
	s12 =	sor.u32 @!p0 $0x14000, s16  }
0x47: {  	s13 =	simm.s32 @!p0 $0x0;
	s7 =	simm.s32 $0x14300;
	s16 =	smov.u32 s10  }
.LBB2_2:
0x48: {  	[tilespmem:s12], [sflag:s11] =	stream.linear.gather @!p0 [hbm4b:s16+s13], $0x80, $0x38;
	[tilespmem:$0x1F300] =	vst v63  }
0x49: {  	s11 =	smov.u32 s24;
	s24 =	smov.u32 s5;
	s12 =	smov.u32 s8  }
0x4a: {  	s5 =	sadd.s32 $0x1, s5;
	s13 =	sadd.s32 $0x1, s30;
	s30 =	sand.u32 $0x1, s24  }
0x4b: {  	p1 =	sne.s32 s5, $0x4E;
	s8 =	sshll.u32 s30, $0xE;
	_ =	swait.ge [sflag:s13], $0x4000  }
0x4c: {  	s16 =	smov.u32 s28;
	[sflag:s13] =	ssyncset.done $0x0  }
0x4d: {  	s14 =	sadd.s32 $0x16B00, s12;
	p2 =	sgt.u32 s11, $0x4B;
	[sflag:s13] =	ssyncadd.s32 $0xFFFFC000  }
0x4e: {  	[spmem:s2] =	stream.indirect.scatter.add.f32 [tilespmem:s14], [sflag:$0x7], $0x80, s7, s26, $0xb8;
	[tilespmem:$0x1F300] =	vst v63  }
0x4f: {  	s12 =	sand.u32 @!p2 $0x3, s11;
	p0 =	sgt.u32 @!p2 s11, $0x49;
	_ =	swait.ge [sflag:s18], $0x4000  }
0x50: {  	s11 =	sxor.u32 @!p2 $0x2, s12;
	p0 =	por p0, p2;
	[sflag:s18] =	ssyncset.done $0x0  }
0x51: {  	s15 =	sadd.s32 @!p2 $0x3, s11;
	s11 =	sshll.u32 @!p2 s11, $0x7;
	[sflag:s18] =	ssyncadd.s32 $0xFFFFC000  }
.Ltmp0:
0x52: {  	s19 =	sor.u32 @!p2 $0x14000, s11;
	_ =	swait.ge @!p2 [sflag:s15], $0x80;
	(pc) =	sbr.rel @p1 .LBB2_2-.Ltmp0, $4  }
0x53: {  	s20 =	sshll.u32 @!p0 s12, $0x7;
	s11 =	sadd.s32 @!p0 $0x3, s12;
	[sflag:s15] =	ssyncset.done @!p2 $0x0  }
0x54: {  	s12 =	sor.u32 @!p0 $0x14000, s20;
	[sflag:s15] =	ssyncadd.s32 @!p2 $0xFFFFFF80;
	s15 =	simm.s32 @!p2 $0x80  }
0x55: {  	[tilespmem:s14], [sflag:s13] =	stream.indirect.gather @!p2 [hbm4b:s4+s15], $0x80, s19, s15, $0xb8;
	[tilespmem:$0x1F300] =	vst v63  }
0x56: {  	s28 =	sadd.s32 $0x10, s28;
	s7 =	sadd.s32 $0x80, s7;
	s13 =	simm.s32 @!p0 $0x0  }
0x57: {  	[tilespmem:s12], [sflag:s11] =	stream.linear.gather @!p0 [hbm4b:s16+s13], $0x80, $0x38;
	[tilespmem:$0x1F300] =	vst v63  }
0x58: {  	s5 =	sadd.s32 $0x1, s30  }
0x59: {  	_ =	swait.ge [sflag:s5], $0x4000  }
0x5a: {  	[sflag:s5] =	ssyncset.done $0x0  }
0x5b: {  	s8 =	sadd.s32 $0x16B00, s8;
	p0 =	sgt.u32 s24, $0x4B;
	[sflag:s5] =	ssyncadd.s32 $0xFFFFC000  }
0x5c: {  	[spmem:s2] =	stream.indirect.scatter.add.f32 [tilespmem:s8], [sflag:$0x7], $0x80, s7, s26, $0xb8;
	[tilespmem:$0x1F300] =	vst v63  }
0x5d: {  	s7 =	sand.u32 @!p0 $0x3, s24;
	_ =	swait.ge [sflag:s18], $0x4000  }
0x5e: {  	s11 =	sxor.u32 @!p0 $0x2, s7;
	[sflag:s18] =	ssyncset.done $0x0  }
0x5f: {  	p1 =	sgt.u32 @!p0 s24, $0x49;
	s12 =	sadd.s32 @!p0 $0x3, s11;
	[sflag:s18] =	ssyncadd.s32 $0xFFFFC000  }
0x60: {  	p1 =	por p1, p0;
	_ =	swait.ge @!p0 [sflag:s12], $0x80  }
0x61: {  	s13 =	sshll.u32 @!p1 s7, $0x7;
	s11 =	sshll.u32 @!p0 s11, $0x7;
	[sflag:s12] =	ssyncset.done @!p0 $0x0  }
0x62: {  	s11 =	sor.u32 @!p0 $0x14000, s11;
	[sflag:s12] =	ssyncadd.s32 @!p0 $0xFFFFFF80;
	s12 =	simm.s32 @!p0 $0x80  }
0x63: {  	[tilespmem:s8], [sflag:s5] =	stream.indirect.gather @!p0 [hbm4b:s4+s12], $0x80, s11, s12, $0xb8;
	[tilespmem:$0x1F300] =	vst v63  }
0x64: {  	s5 =	sadd.s32 @!p1 $0x3, s7;
	s7 =	sor.u32 @!p1 $0x14000, s13;
	s8 =	simm.s32 @!p1 $0x0  }
0x65: {  	[tilespmem:s7], [sflag:s5] =	stream.linear.gather @!p1 [hbm4b:s28+s8], $0x80, $0x38;
	[tilespmem:$0x1F300] =	vst v63  }
0x66: {  	s11 =	simm.s32 $0x14200  }
0x67: {  	[tilespmem:s0], [sflag:$0x1] =	stream.indirect.gather [hbm4b:s4+s31], $0x80, s11, s31, $0xb8;
	[tilespmem:$0x1F300] =	vst v63  }
0x68: {  	_ =	swait.ge [sflag:s1], $0x800  }
0x69: {  	[sflag:s1] =	ssyncset.done $0x0  }
0x6a: {  	s8 =	simm.s32 $0x16A80;
	[sflag:s1] =	ssyncadd.s32 $0xFFFFF800  }
0x6b: {  	[spmem:s2] =	stream.indirect.scatter.add.f32 [tilespmem:s0], [sflag:$0x7], $0x80, s8, s31, $0xb8;
	[tilespmem:$0x1F300] =	vst v63  }
0x6c: {  	_ =	swait.ge [sflag:s18], $0x800  }
0x6d: {  	[sflag:s18] =	ssyncset.done $0x0  }
0x6e: {  	[sflag:s18] =	ssyncadd.s32 $0xFFFFF800  }
0x6f: {  	[bflag:$0x0] =	sbarrier.arrive $0xFFFF  }
0x70: {  	s28 =	rddreg [dreg:$0xb]  }
0x71: {  	[hbm:s28], [sflag:s6] =	dma.local [spmem:s17], $0x2800  }
0x72: {  	_ =	swait.ge [sflag:s18], $0x2800  }
0x73: {  	s23 =	sadd.s32 $0x1, s23;
	s30 =	rddreg [dreg:$0xc]  }
0x74: {  	p0 =	sne.s32 s23, s30  }
.Ltmp1:
0x75: {  	_ = 	snop;
	(pc) =	sbr.rel @p0 .LBB2_1-.Ltmp1, $3  }
0x76: {  	_ =	sdelay $0x1  }
0x77: {  	[sflag:s18] =	ssyncset.done $0x0  }
0x78: {  	[sflag:s18] =	ssyncadd.s32 $0xFFFFD800  }
0x79: {  	_ =	sfence.sel $0x180000  }
0x7a: {  	[bflag:$0x0] =	sbarrier.arrive $0xFFFF  }
0x7b: {  	_ =	strace $0x9000004D  }
0x7c: {  	s0 =	stileid.u32;
	[bflag:$0x2] =	sbarrier.arrive $0xFFFF  }
0x7d: {  	p0 =	sne.s32 s0, $0x0;
	s0 =	rddreg [dreg:$0x3]  }
0x7e: {  	s0 =	sadd.s32 @!p0 $0x100000, s0  }
0x7f: {  	[sflag:s0] =	ssyncadd.tile.s32 @!p0 $0x1;
	_ =	shalt  }
.Lfunc_end2:
_tile_overlayer_lowered:
.L_overlay_start_2:
0x80: {  	(tag) =	ssettag $0x2  }
0x81: {  	s0 =	rddreg [dreg:$0x0];
	s2 =	stileid.u32  }
0x82: {  	s1 =	rddreg [dreg:$0x1];
	p0 =	sne.s32 s2, $0x0  }
0x83: {  	s3 =	rddreg [dreg:$0x2];
	[bflag:$0x3] =	sbarrier.arrive $0xFFFF;
	s2 =	simm.s32 @!p0 $0x1C07  }
0x84: {  	[timem:s3], [sflag:s2] =	dma.local @!p0 [hbm:s0], s1  }
0x85: {  	s0 =	simm.s32 @!p0 $0x7  }
0x86: {  	_ =	swait.ge @!p0 [sflag:s0], s1  }
0x87: {  	s1 =	ssub.s32 @!p0 $0x0, s1;
	[sflag:s0] =	ssyncset.done @!p0 $0x0  }
0x88: {  	[sflag:s0] =	ssyncadd.s32 @!p0 s1  }
0x89: {  	[bflag:$0x3] =	sbarrier.arrive $0xFFFF  }
0x8a: {  	_ =	shalt  }

// kernel: kernel.8.cloned.1.call-start
scs
__scs_entry_jumppad:
0x0: {  	(pc) =	sbr.rel $0x88, $3  }
0x1: {  	(tag) =	ssettag $0x0;
	lr =	simm.s32 $0x1  }
0x2: {  	[smem:$0x3F9B] =	sst lr;
	_ =	strace $0xD0000000  }
0x3: {  	_ = 	snop  }
0x4: {  	_ = 	snop  }
0x5: {  	_ = 	snop  }
0x6: {  	_ = 	snop  }
0x7: {  	_ = 	snop  }
__scs_overlays_trampoline_lowered:
0x8: {  	[smem:$0x3FAA] =	sst s0  }
0x9: {  	[smem:$0x3FAB] =	sst s1  }
0xa: {  	[smem:$0x3FAC] =	sst s2  }
0xb: {  	[smem:$0x3FAD] =	sst s3  }
0xc: {  	[smem:$0x3FAE] =	sst s4  }
0xd: {  	[smem:$0x3FAF] =	sst s5  }
0xe: {  	[smem:$0x3FB0] =	sst s6  }
0xf: {  	[smem:$0x3FB1] =	sst s7  }
0x10: {  	[smem:$0x3FB2] =	sst s8  }
0x11: {  	[smem:$0x3FB3] =	sst s9;
	s0 =	simm.s32 @!p0 $0x0  }
0x12: {  	s1 =	sld [smem:$0x3F99];
	s0 =	simm.s32 @p0 $0x1  }
0x13: {  	[smem:$0x3FB4] =	sst s0;
	s0 =	simm.s32 @!p1 $0x0  }
0x14: {  	s2 =	sld [smem:$0x3F98];
	s0 =	simm.s32 @p1 $0x1  }
0x15: {  	[smem:$0x3FB5] =	sst s0;
	s0 =	simm.s32 @!p2 $0x0  }
0x16: {  	s3 =	sld [smem:$0x3FDB];
	s0 =	simm.s32 @p2 $0x1  }
0x17: {  	s4 =	simm.s32 $0x1BF5;
	[smem:$0x3FB7] =	sst s0  }
0x18: {  	s0 =	sld [smem:$0x3F9A];
	_ =	swait.ge [sflag:s4], $0x0  }
0x19: {  	s7 =	sld [smem:$0x3F9B]  }
0x1a: {  	s8 =	sadd.s32 $0xFFFFE003, lr  }
0x1b: {  	s9 =	sadd.s32 $0xFFFFFEF7, lr;
	s5 =	simm.s32 $0xFFFFFFFF;
	p2 =	slt.u32 s8, $0xFFFFF086  }
0x1c: {  	p1 =	slt.u32 s9, $0xF7A;
	s5 =	simm.s32 @!p2 $0x0  }
0x1d: {  	s5 =	simm.s32 @p1 $0x1;
	p0 =	seq.s32 s7, s2  }
0x1e: {  	s7 =	smul.u32 @!p0 $0xF7A, s2;
	p2 =	seq.s32 @!p0 s5, $0x0  }
0x1f: {  	s9 =	smul.u32 $0xF7A, s1;
	s8 =	simm.s32 @!p0 $0x1BF5;
	p2 =	por !p2, p0  }
0x20: {  	[sflag:s8] =	ssyncset.s32 @!p0 $0xFFFFF086;
	s6 =	sadd.s32 @!p0 s3, s7;
	s7 =	simm.s32 @!p0 $0x108  }
0x21: {  	s3 =	sadd.s32 s3, s9;
	s6 =	sadd.s32 @!p0 $0x88, s6;
	s7 =	simm.s32 @p2 $0x1082  }
0x22: {  	[simem:s7], [sflag:s8] =	dma.local @!p0 [hbm:s6], $0xF7A  }
0x23: {  	s9 =	sor.u32 $0xD0000000, s2;
	s6 =	simm.s32 $0x108;
	_ =	swait.ge @!p0 [sflag:s8], $0x0  }
0x24: {  	s3 =	sadd.s32 $0x88, s3;
	s6 =	simm.s32 @!p1 $0x1082;
	[sflag:s4] =	ssyncset.s32 $0xFFFFF086  }
0x25: {  	[simem:s6], [sflag:s4] =	dma.local [hbm:s3], $0xF7A  }
0x26: {  	[smem:$0x3F9B] =	sst s1;
	(tag) =	ssettag s2;
	_ =	strace s9  }
0x27: {  	s1 =	sld [smem:$0x3FAB]  }
0x28: {  	s2 =	sld [smem:$0x3FAC]  }
0x29: {  	s4 =	sld [smem:$0x3FAE]  }
0x2a: {  	p0 =	seq.s32 s5, $0x0;
	s5 =	sld [smem:$0x3FAF]  }
0x2b: {  	s6 =	sld [smem:$0x3FB0]  }
0x2c: {  	s7 =	sld [smem:$0x3FB1]  }
0x2d: {  	s3 =	simm.s32 $0x108;
	s8 =	sld [smem:$0x3FB2]  }
0x2e: {  	s3 =	simm.s32 @!p0 $0x1082;
	s9 =	sld [smem:$0x3FB3]  }
0x2f: {  	lr =	sadd.s32 s0, s3;
	s0 =	sld [smem:$0x3FAA]  }
0x30: {  	s3 =	sld [smem:$0x3FAD]  }
0x31: {  	[smem:$0x3FB6] =	sst s10  }
0x32: {  	s10 =	sld [smem:$0x3FB4];
	_ =	sdelay $0x3  }
0x33: {  	p0 =	seq.s32 s10, $0x1;
	s10 =	sld [smem:$0x3FB6];
	_ =	sdelay $0x3  }
0x34: {  	[smem:$0x3FB6] =	sst s10  }
0x35: {  	s10 =	sld [smem:$0x3FB5];
	_ =	sdelay $0x3  }
0x36: {  	p1 =	seq.s32 s10, $0x1;
	s10 =	sld [smem:$0x3FB6];
	_ =	sdelay $0x3  }
0x37: {  	[smem:$0x3FB6] =	sst s10  }
0x38: {  	s10 =	sld [smem:$0x3FB7]  }
0x39: {  	_ = 	snop;
	(pc) =	sbr.ind lr, $3  }
0x3a: {  	_ = 	snop  }
0x3b: {  	_ = 	snop  }
0x3c: {  	p2 =	seq.s32 s10, $0x1;
	s10 =	sld [smem:$0x3FB6]  }
0x3d: {  	_ =	shalt  }
0x3e: {  	_ =	shalt  }
0x3f: {  	_ =	shalt  }
0x40: {  	_ =	shalt  }
0x41: {  	_ =	shalt  }
0x42: {  	_ =	shalt  }
0x43: {  	_ =	shalt  }
0x44: {  	_ =	shalt  }
0x45: {  	_ =	shalt  }
0x46: {  	_ =	shalt  }
0x47: {  	_ =	shalt  }
0x48: {  	_ =	shalt  }
0x49: {  	_ =	shalt  }
0x4a: {  	_ =	shalt  }
0x4b: {  	_ =	shalt  }
0x4c: {  	_ =	shalt  }
0x4d: {  	_ =	shalt  }
0x4e: {  	_ =	shalt  }
0x4f: {  	_ =	shalt  }
0x50: {  	_ =	shalt  }
0x51: {  	_ =	shalt  }
0x52: {  	_ =	shalt  }
0x53: {  	_ =	shalt  }
0x54: {  	_ =	shalt  }
0x55: {  	_ =	shalt  }
0x56: {  	_ =	shalt  }
0x57: {  	_ =	shalt  }
0x58: {  	_ =	shalt  }
0x59: {  	_ =	shalt  }
0x5a: {  	_ =	shalt  }
0x5b: {  	_ =	shalt  }
0x5c: {  	_ =	shalt  }
0x5d: {  	_ =	shalt  }
0x5e: {  	_ =	shalt  }
0x5f: {  	_ =	shalt  }
0x60: {  	_ =	shalt  }
0x61: {  	_ =	shalt  }
0x62: {  	_ =	shalt  }
0x63: {  	_ =	shalt  }
0x64: {  	_ =	shalt  }
0x65: {  	_ =	shalt  }
0x66: {  	_ =	shalt  }
0x67: {  	_ =	shalt  }
0x68: {  	_ =	shalt  }
0x69: {  	_ =	shalt  }
0x6a: {  	_ =	shalt  }
0x6b: {  	_ =	shalt  }
0x6c: {  	_ =	shalt  }
0x6d: {  	_ =	shalt  }
0x6e: {  	_ =	shalt  }
0x6f: {  	_ =	shalt  }
0x70: {  	_ =	shalt  }
0x71: {  	_ =	shalt  }
0x72: {  	_ =	shalt  }
0x73: {  	_ =	shalt  }
0x74: {  	_ =	shalt  }
0x75: {  	_ =	shalt  }
0x76: {  	_ =	shalt  }
0x77: {  	_ =	shalt  }
0x78: {  	_ =	shalt  }
0x79: {  	_ =	shalt  }
0x7a: {  	_ =	shalt  }
0x7b: {  	_ =	shalt  }
0x7c: {  	_ =	shalt  }
0x7d: {  	_ =	shalt  }
0x7e: {  	_ =	shalt  }
0x7f: {  	_ =	shalt  }
0x80: {  	_ =	shalt  }
0x81: {  	_ =	shalt  }
0x82: {  	_ =	shalt  }
0x83: {  	_ =	shalt  }
0x84: {  	_ =	shalt  }
0x85: {  	_ =	shalt  }
0x86: {  	_ =	shalt  }
0x87: {  	_ =	shalt  }
.Lfunc_end0:
.L_simem_size_0:
called_computation_lowered:
.L_overlay_start_0:
0x88: {  	s2 =	sld [smem:$0x3FD9]  }
0x89: {  	s3 =	sld [smem:$0x3FFE];
	_ =	sdelay $0x1  }
0x8a: {  	s1 =	srdreg.scid  }
0x8b: {  	s0 =	sand.u32 $0x1, s1  }
0x8c: {  	s17 =	sshll.u32 s0, $0xA;
	s2 =	sadd.s32 s3, s2  }
0x8d: {  	s2 =	sadd.s32 s2, s17  }
0x8e: {  	[smem:$0x3FC2] =	sst s2  }
0x8f: {  	_ = 	snop  }
0x90: {  	s2 =	sld [smem:$0x3FD0];
	(tm) =	ssettm $0x1  }
0x91: {  	s18 =	sld [smem:$0x3FFB];
	_ =	sdelay $0x3  }
0x92: {  	_ =	strace s18  }
0x93: {  	s3 =	sld [smem:$0x3FFC];
	_ =	sdelay $0x3  }
0x94: {  	_ =	strace s3  }
0x95: {  	s3 =	sld [smem:$0x3FFD];
	_ =	sdelay $0x3  }
0x96: {  	_ =	strace s3  }
0x97: {  	_ =	strace $0x8FFFFFFF  }
0x98: {  	s19 =	sld [smem:$0x3FDB];
	_ =	sdelay $0x1  }
0x99: {  	s4 =	simm.s32 $_scs_section_size  }
0x9a: {  	s5 =	simm.s32 $_size__tile_overlayer_lowered;
	s6 =	simm.s32 $_tile_overlayer_lowered  }
0x9b: {  	s22 =	simm.s32 $0x1BFF;
	s21 =	sshll.u32 s6, $0x1;
	s3 =	sadd.s32 s4, s19  }
0x9c: {  	s7 =	simm.s32 $0x0;
	s20 =	sshll.u32 s5, $0x1;
	s5 =	sadd.s32 s21, s3  }
0x9d: {  	[timem:s7], [sflag:s22] =	dma.local [hbm:s5], s20  }
0x9e: {  	_ =	swait.ge [sflag:s22], s20  }
0x9f: {  	s4 =	ssub.s32 $0x0, s20;
	[sflag:s22] =	ssyncset.done $0x0  }
0xa0: {  	[sflag:s22] =	ssyncadd.s32 s4;
	_ =	sdelay $0x1  }
0xa1: {  	s23 =	simm.s32 $0x1B8B  }
0xa2: {  	_ =	swait.ge [sflag:s23], $0x1  }
0xa3: {  	[sflag:s23] =	ssyncset.done $0x0  }
0xa4: {  	s25 =	simm.s32 $0x1B8E;
	s24 =	sld [smem:$0x3FFE];
	[sflag:s23] =	ssyncadd.s32 $0xFFFFFFFF  }
0xa5: {  	s26 =	simm.s32 $execute0_lowered;
	[smem:$0x3FD2] =	sst s25  }
0xa6: {  	s5 =	sshll.u32 s26, $0x1;
	_ =	strace $0x80000046;
	[dreg:$0x1] =	wrdreg $0xFFFFFFFF  }
0xa7: {  	s28 =	simm.s32 $_size_execute0_lowered;
	s3 =	sadd.s32 s3, s5;
	[dreg:$0x0] =	wrdreg $0x0  }
0xa8: {  	s5 =	sshll.u32 s28, $0x1;
	[dreg:$0x2] =	wrdreg s3  }
0xa9: {  	[dreg:$0x3] =	wrdreg s5  }
0xaa: {  	[dreg:$0x4] =	wrdreg $0xC0  }
0xab: {  	_ =	task [dreg:s7], $0x5FFFF  }
0xac: {  	[dreg:$0x1] =	wrdreg $0xFFFFFFFF  }
0xad: {  	[dreg:$0x0] =	wrdreg $0x60  }
0xae: {  	[dreg:$0x2] =	wrdreg s2  }
0xaf: {  	[dreg:$0x3] =	wrdreg s24  }
0xb0: {  	[dreg:$0x4] =	wrdreg $0x0  }
0xb1: {  	[dreg:$0x5] =	wrdreg $0x9  }
0xb2: {  	_ =	task.clear_ibuf [dreg:s7], $0x6FFFF;
	_ =	strace $0x90000046  }
0xb3: {  	s29 =	simm.s32 $0x9;
	_ =	strace $0x80000048  }
0xb4: {  	_ =	swait.ge [sflag:s29], $0x1  }
0xb5: {  	[sflag:s29] =	ssyncadd.s32 $0xFFFFFFFF  }
0xb6: {  	_ =	strace $0x90000048  }
0xb7: {  	_ =	sfence  }
0xb8: {  	s30 =	sld [smem:$0x0];
	_ =	sdelay $0x2  }
0xb9: {  	s31 =	sshll.u32 s1, $0xD;
	s1 =	sshrl.u32 s1, $0x2  }
0xba: {  	s3 =	sand.u32 $0x4000, s31;
	s1 =	sadd.s32 s1, s30  }
0xbb: {  	s0 =	sor.u32 s3, s0;
	s1 =	sshll.u32 s1, $0x11  }
0xbc: {  	s0 =	sor.u32 s1, s0  }
0xbd: {  	s0 =	sadd.s32 $0x8F2B, s0  }
0xbe: {  	[sflag:s0] =	ssyncadd.remote.s32 $0x1  }
0xbf: {  	_ =	sfence.sel $0xFFFF  }
0xc0: {  	[dreg:$0x0] =	wrdreg $0xFFFFFFFF;
	(pc) =	sbr.abs _section_cstart, $3  }
0xc1: {  	[dreg:$0x1] =	wrdreg $0xFFFFFFFF  }
0xc2: {  	_ =	task.clear_ibuf [dreg:s7], $0x2FFFF;
	_ =	strace $0x9FFFFFFF  }
0xc3: {  	(tm) =	ssettm $0x7FFFFFFF  }
tec
execute0_lowered:
.L_overlay_start_1:
0x0: {  	(tag) =	ssettag $0x1  }
0x1: {  	s7 =	rddreg [dreg:$0x0]  }
0x2: {  	s5 =	rddreg [dreg:$0x1]  }
0x3: {  	s1 =	srdreg.scid;
	s0 =	stileid.u32  }
0x4: {  	s2 =	rddreg [dreg:$0x2];
	s3 =	simm.s32 $0x0;
	s14 =	simm.s32 $0x280  }
0x5: {  	s15 =	simm.s32 $0x2A80;
	s16 =	simm.s32 $0x80;
	s17 =	simm.s32 $0x10  }
0x6: {  	s18 =	simm.s32 $0x20;
	s19 =	simm.s32 $0x0;
	s6 =	sand.u32 $0x1, s1  }
0x7: {  	s4 =	sshll.u32 s0, $0x1;
	s1 =	rddreg [dreg:$0x3];
	s9 =	smul.u32 $0x500, s0  }
0x8: {  	[smem:$0x7FF] =	sst s3;
	s12 =	smul.u32 $0x280, s0;
	s31 =	sshll.u32 s0, $0x6  }
0x9: {  	s8 =	sor.u32 s6, s4;
	_ =	strace $0x80000047;
	s11 =	sshll.u32 s6, $0x7  }
0xa: {  	s6 =	ssub.s32 $0x2, s6;
	s4 =	sshll.u32 s8, $0x4;
	s9 =	sor.u32 s11, s9  }
0xb: {  	s29 =	sshrl.u32 s6, $0x1;
	s8 =	smul.u32 $0x500, s8;
	s13 =	sadd.s32 s12, s2  }
0xc: {  	s30 =	sshrl.u32 s12, $0x3;
	s12 =	simm.s32 $0x1;
	s10 =	sadd.s32 s4, s5  }
0xd: {  	s4 =	sadd.s32 $0xC200, s5;
	s9 =	sshrl.u32 s9, $0x3;
	s11 =	ssub.s32 s6, s29  }
0xe: {  	s6 =	sor.u32 $0x1C01, s31;
	s9 =	sadd.s32 s9, s5;
	s5 =	sadd.s32 s4, s30  }
0xf: {  	s7 =	sadd.s32 s7, s8;
	s8 =	sadd.s32 $0xC000, s10;
	s10 =	smax.u32 s11, $0x1  }
0x10: {  	s11 =	sshrl.u32 s13, $0x3;
	s13 =	simm.s32 $0x2B00;
	s9 =	sadd.s32 $0xC800, s9  }
.LBB2_1:
0x11: {  	[spmem:s11], [sflag:s6] =	dma.local [hbm:s5], $0x50  }
0x12: {  	_ =	swait.ge [sflag:s12], $0x50  }
0x13: {  	[sflag:s12] =	ssyncset.done $0x0  }
0x14: {  	[sflag:s12] =	ssyncadd.s32 $0xFFFFFFB0  }
0x15: {  	[tilespmem:s13], [sflag:$0x1] =	stream.linear.gather [hbm4b:s4+s3], $0x80, $0x38;
	[tilespmem:$0x2B80] =	vst v63  }
0x16: {  	_ =	swait.ge [sflag:s12], $0x80  }
0x17: {  	[sflag:s12] =	ssyncset.done $0x0  }
0x18: {  	[sflag:s12] =	ssyncadd.s32 $0xFFFFFF80  }
0x19: {  	[tilespmem:s14], [sflag:$0x1] =	stream.linear.gather [hbm4b:s7+s3], $0x2700, $0x38;
	[tilespmem:$0x2B80] =	vst v63  }
0x1a: {  	_ =	swait.ge [sflag:s12], $0x2700  }
0x1b: {  	[sflag:s12] =	ssyncset.done $0x0  }
0x1c: {  	[sflag:s12] =	ssyncadd.s32 $0xFFFFD900  }
0x1d: {  	[tilespmem:s15], [sflag:$0x1] =	stream.linear.gather [hbm4b:s8+s3], $0x80, $0x38;
	[tilespmem:$0x2B80] =	vst v63  }
0x1e: {  	_ =	swait.ge [sflag:s12], $0x80  }
0x1f: {  	[sflag:s12] =	ssyncset.done $0x0  }
0x20: {  	[sflag:s12] =	ssyncadd.s32 $0xFFFFFF80  }
0x21: {  	s20 =	simm.s32 $0x280;
	[bflag:$0x0] =	sbarrier.arrive $0xFFFF  }
0x22: {  	[spmem:s2] =	stream.indirect.scatter.add.f32 [tilespmem:s13], [sflag:$0x1], $0x1, s20, s16, $0xb8;
	[tilespmem:$0x2B80] =	vst v63  }
0x23: {  	s20 =	simm.s32 $0x200;
	_ =	swait.ge [sflag:s12], $0x80  }
.LBB2_2:
0x24: {  	s21 =	sshra.s32 s20, $0x2;
	[sflag:s12] =	ssyncset.done $0x0;
	p0 =	sne.s32 s20, $0x9A00  }
.Ltmp0:
0x25: {  	s21 =	sadd.s32 $0x280, s21;
	[sflag:s12] =	ssyncadd.s32 $0xFFFFFF80;
	(pc) =	sbr.rel @p0 .LBB2_2-.Ltmp0, $3  }
0x26: {  	[spmem:s2] =	stream.indirect.scatter.add.f32 [tilespmem:s13], [sflag:$0x1], $0x1, s21, s16, $0xb8;
	[tilespmem:$0x2B80] =	vst v63  }
0x27: {  	s20 =	sadd.s32 $0x200, s20;
	_ =	sdelay $0x1  }
0x28: {  	_ =	swait.ge [sflag:s12], $0x80  }
0x29: {  	[sflag:s12] =	ssyncset.done $0x0  }
0x2a: {  	[sflag:s12] =	ssyncadd.s32 $0xFFFFFF80  }
0x2b: {  	[spmem:s2] =	stream.indirect.scatter.add.f32 [tilespmem:s13], [sflag:$0x1], $0x1, s15, s17, $0xb8;
	[tilespmem:$0x2B80] =	vst v63  }
0x2c: {  	_ =	swait.ge [sflag:s12], $0x10  }
0x2d: {  	s19 =	sadd.s32 $0x1, s19;
	[sflag:s12] =	ssyncset.done $0x0  }
0x2e: {  	p0 =	sne.s32 s19, s10;
	[sflag:s12] =	ssyncadd.s32 $0xFFFFFFF0  }
.Ltmp1:
0x2f: {  	[bflag:$0x0] =	sbarrier.arrive $0xFFFF;
	(pc) =	sbr.rel @p0 .LBB2_1-.Ltmp1, $4  }
0x30: {  	[hbm:s9@s18], [sflag:s6] =	dma.strided [spmem:s11@s17], $0x50, s12, $0x10   }
0x31: {  	_ =	swait.ge [sflag:s12], $0x50  }
0x32: {  	[sflag:s12] =	ssyncset.done $0x0  }
0x33: {  	[sflag:s12] =	ssyncadd.s32 $0xFFFFFFB0  }
0x34: {  	_ =	sfence.sel $0x180000  }
0x35: {  	[bflag:$0x0] =	sbarrier.arrive $0xFFFF  }
0x36: {  	p0 =	sne.s32 s0, $0x0;
	_ =	strace $0x90000047  }
0x37: {  	s0 =	sadd.s32 @!p0 $0x100000, s1;
	[bflag:$0x2] =	sbarrier.arrive $0xFFFF  }
0x38: {  	[sflag:s0] =	ssyncadd.tile.s32 @!p0 $0x1;
	_ =	shalt  }
.Lfunc_end2:
_tile_overlayer_lowered:
.L_overlay_start_2:
0x39: {  	(tag) =	ssettag $0x2  }
0x3a: {  	s0 =	rddreg [dreg:$0x0];
	s2 =	stileid.u32  }
0x3b: {  	s1 =	rddreg [dreg:$0x1];
	p0 =	sne.s32 s2, $0x0  }
0x3c: {  	s3 =	rddreg [dreg:$0x2];
	[bflag:$0x3] =	sbarrier.arrive $0xFFFF;
	s2 =	simm.s32 @!p0 $0x1C01  }
0x3d: {  	[timem:s3], [sflag:s2] =	dma.local @!p0 [hbm:s0], s1  }
0x3e: {  	s0 =	simm.s32 @!p0 $0x1  }
0x3f: {  	_ =	swait.ge @!p0 [sflag:s0], s1  }
0x40: {  	s1 =	ssub.s32 @!p0 $0x0, s1;
	[sflag:s0] =	ssyncset.done @!p0 $0x0  }
0x41: {  	[sflag:s0] =	ssyncadd.s32 @!p0 s1  }
0x42: {  	[bflag:$0x3] =	sbarrier.arrive $0xFFFF  }
0x43: {  	_ =	shalt  }

</sc_bundles>
